<compile_context>
chip_gen: v7x
topology: tpu7x:2x2x1
jax: 0.10.2.dev20260603
libtpu: 0.0.44.dev20260713+nightly
codegen_flags: <defaults>
</compile_context>

<pallas_src>
import functools

import jax
import jax.numpy as jnp
from jax import lax
from jax.experimental import pallas as pl
from jax.experimental.pallas import tpu as pltpu
from jax.experimental.pallas import tpu_sc as plsc

EMBED = 16
BATCH = 16384
NC = 2
NS = 16
NW = NC * NS
BPW = BATCH // NW
GRP = 128
NG = BPW // GRP

_mesh = plsc.VectorSubcoreMesh(core_axis_name="c", subcore_axis_name="s")


@functools.partial(
    pl.kernel,
    mesh=_mesh,
    compiler_params=pltpu.CompilerParams(use_tc_tiling_on_sc=False),
    out_type=[
        jax.ShapeDtypeStruct((NW, EMBED), jnp.float32),
        jax.ShapeDtypeStruct((BATCH,), jnp.float32),
    ],
    scratch_types=[
        pltpu.VMEM((NG, GRP), jnp.int32),
        pltpu.VMEM((NG, GRP), jnp.int32),
        pltpu.VMEM((BPW, EMBED), jnp.float32),
        pltpu.VMEM((BPW, EMBED), jnp.float32),
        pltpu.VMEM((BPW,), jnp.float32),
        pltpu.VMEM((BPW,), jnp.float32),
        pltpu.VMEM((EMBED,), jnp.float32),
        pltpu.VMEM((BPW,), jnp.float32),
        pltpu.SemaphoreType.DMA,
    ],
)
def _sc_gather_dot(
    uidx_hbm, midx_hbm, uemb_hbm, ubias_hbm, memb_hbm, mbias_hbm,
    part_out, bsum_out,
    uidx_v, midx_v, urows_v, mrows_v, ub_v, mb_v, acc_v, bs_v, sem,
):
    wid = lax.axis_index("s") * NC + lax.axis_index("c")
    base = wid * BPW

    pltpu.sync_copy(uidx_hbm.at[wid], uidx_v)
    pltpu.sync_copy(midx_hbm.at[wid], midx_v)

    for j in range(NG):
        rows = pl.ds(j * GRP, GRP)
        pltpu.async_copy(uemb_hbm.at[uidx_v.at[j]], urows_v.at[rows], sem)
        pltpu.async_copy(memb_hbm.at[midx_v.at[j]], mrows_v.at[rows], sem)
        pltpu.async_copy(ubias_hbm.at[uidx_v.at[j]], ub_v.at[rows], sem)
        pltpu.async_copy(mbias_hbm.at[midx_v.at[j]], mb_v.at[rows], sem)
    for j in range(NG):
        rows = pl.ds(j * GRP, GRP)
        pltpu.make_async_copy(uemb_hbm.at[uidx_v.at[j]], urows_v.at[rows], sem).wait()
        pltpu.make_async_copy(memb_hbm.at[midx_v.at[j]], mrows_v.at[rows], sem).wait()
        pltpu.make_async_copy(ubias_hbm.at[uidx_v.at[j]], ub_v.at[rows], sem).wait()
        pltpu.make_async_copy(mbias_hbm.at[midx_v.at[j]], mb_v.at[rows], sem).wait()

    def body(i, acc):
        return acc + urows_v[i, :] * mrows_v[i, :]

    acc_v[...] = lax.fori_loop(0, BPW, body, jnp.zeros((EMBED,), jnp.float32))
    pltpu.sync_copy(acc_v, part_out.at[wid])

    for j in range(BPW // 16):
        sl = pl.ds(j * 16, 16)
        bs_v[sl] = ub_v[sl] + mb_v[sl]
    pltpu.sync_copy(bs_v, bsum_out.at[pl.ds(base, BPW)])


def _tc_finish(part_ref, bias_ref, out_ref):
    s = jnp.sum(part_ref[...])
    out_ref[...] = jax.nn.sigmoid(bias_ref[...] + s)


def kernel(inputs, user_embedding, user_bias, movie_embedding, movie_bias):
    idx = inputs.astype(jnp.int32)
    uidx = idx[:, 0].reshape(NW, NG, GRP)
    midx = idx[:, 1].reshape(NW, NG, GRP)
    ubias = user_bias.reshape(-1)
    mbias = movie_bias.reshape(-1)

    partials, bsum = _sc_gather_dot(
        uidx, midx, user_embedding, ubias, movie_embedding, mbias
    )

    out = pl.pallas_call(
        _tc_finish,
        out_shape=jax.ShapeDtypeStruct((128, 128), jnp.float32),
    )(partials, bsum.reshape(128, 128))
    return out.reshape(BATCH, 1)

# --- scband reference (transcript-rebuilt; emitter-appended) ---
"""Pipeline reference for scband-recommender-net-62706522521639 (READ-ONLY COPY).

The authoritative reference and input builder live on the scoring server;
editing this copy changes nothing except your own understanding.
"""

import jax, jax.numpy as jnp
import numpy as np

NUM_RATINGS = 1000000
NUM_MOVIES = 1000000
EMBED = 16
BATCH = 16384

def setup_inputs(seed: int = 0) -> dict:
    key = jax.random.key(seed)
    k1, k2, k3, k4, k5 = jax.random.split(key, 5)
    inputs = jax.random.randint(k1, (BATCH, 2), 0, NUM_MOVIES, dtype=jnp.int64) if jax.config.jax_enable_x64 else jax.random.randint(k1, (BATCH, 2), 0, NUM_MOVIES).astype(jnp.int32)
    user_embedding = jax.random.normal(k2, (NUM_RATINGS, EMBED), dtype=jnp.float32) * (2.0 / EMBED) ** 0.5
    user_bias = jnp.zeros((NUM_RATINGS, 1), dtype=jnp.float32)
    movie_embedding = jax.random.normal(k3, (NUM_MOVIES, EMBED), dtype=jnp.float32) * (2.0 / EMBED) ** 0.5
    movie_bias = jnp.zeros((NUM_MOVIES, 1), dtype=jnp.float32)
    return {
        "inputs": inputs,
        "user_embedding": user_embedding,
        "user_bias": user_bias,
        "movie_embedding": movie_embedding,
        "movie_bias": movie_bias,
    }

def reference(inputs, user_embedding, user_bias, movie_embedding, movie_bias):
    user_idx = inputs[:, 0]
    movie_idx = inputs[:, 1]
    user_vector = jnp.take(user_embedding, user_idx, axis=0)   # [B, E]
    u_bias = jnp.take(user_bias, user_idx, axis=0)             # [B, 1]
    movie_vector = jnp.take(movie_embedding, movie_idx, axis=0)  # [B, E]
    m_bias = jnp.take(movie_bias, movie_idx, axis=0)            # [B, 1]
    # Faithful to tf.tensordot(user_vector, movie_vector, 2): full contraction -> scalar
    dot_user_movie = jnp.tensordot(user_vector, movie_vector, 2)
    x = dot_user_movie + u_bias + m_bias  # scalar broadcasts -> [B, 1]
    return jax.nn.sigmoid(x)

if __name__ == "__main__":
    import jax
    _d = setup_inputs()
    print(jax.jit(kernel)(*tuple(_d.values())))

</pallas_src>

<mosaic_0001>
#map = affine_map<(d0, d1) -> (0, 0, 0)>
#map1 = affine_map<(d0, d1) -> (0, 0)>
#map2 = affine_map<(d0, d1) -> (0)>
module attributes {stable_mosaic.version = 14 : i64} {
  func.func @_sc_gather_dot(%arg0: i32, %arg1: i32, %arg2: memref<32x4x128xi32, #tpu.memory_space<hbm>>, %arg3: memref<32x4x128xi32, #tpu.memory_space<hbm>>, %arg4: memref<1000000x16xf32, #tpu.memory_space<hbm>>, %arg5: memref<1000000xf32, #tpu.memory_space<hbm>>, %arg6: memref<1000000x16xf32, #tpu.memory_space<hbm>>, %arg7: memref<1000000xf32, #tpu.memory_space<hbm>>, %arg8: memref<32x16xf32, #tpu.memory_space<hbm>>, %arg9: memref<16384xf32, #tpu.memory_space<hbm>>, %arg10: memref<4x128xi32, #tpu.memory_space<vmem>>, %arg11: memref<4x128xi32, #tpu.memory_space<vmem>>, %arg12: memref<512x16xf32, #tpu.memory_space<vmem>>, %arg13: memref<512x16xf32, #tpu.memory_space<vmem>>, %arg14: memref<512xf32, #tpu.memory_space<vmem>>, %arg15: memref<512xf32, #tpu.memory_space<vmem>>, %arg16: memref<16xf32, #tpu.memory_space<vmem>>, %arg17: memref<512xf32, #tpu.memory_space<vmem>>, %arg18: memref<!tpu.dma_semaphore, #tpu.memory_space<semaphore_mem>>) attributes {dimension_semantics = [#tpu.dimension_semantics<core_parallel>, #tpu.dimension_semantics<subcore_parallel>], iteration_bounds = array<i64: 2, 16>, scalar_prefetch = 0 : i64, scratch_operands = 9 : i64, tpu.core_type = #tpu.core_type<sc_vector_subcore>, window_params = [{transform_indices = #map}, {transform_indices = #map}, {transform_indices = #map1}, {transform_indices = #map2}, {transform_indices = #map1}, {transform_indices = #map2}, {transform_indices = #map1}, {transform_indices = #map2}]} {
    %mul3A = arith.constant 2 : i32
    %mul3A_0 = arith.muli %arg1, %mul3A : i32
    %add3A = arith.addi %mul3A_0, %arg0 : i32
    %mul3A_1 = arith.constant 512 : i32
    %mul3A_2 = arith.muli %add3A, %mul3A_1 : i32
    "tpu.region"() ({
      %run_scoped3A = tpu.sem_alloc : memref<!tpu.dma_semaphore, #tpu.memory_space<semaphore_mem>>
      %dma_start3A_649 = arith.constant 0 : i32
      %dma_start3A_650 = arith.constant 0 : i32
      %dma_start3A_651 = tpu.memref_slice %arg2[%add3A, %dma_start3A_649, %dma_start3A_650] : memref<32x4x128xi32, #tpu.memory_space<hbm>> -> memref<1x4x128xi32, #tpu.memory_space<hbm>>
      %dma_start3A_652 = tpu.memref_squeeze %dma_start3A_651 : memref<1x4x128xi32, #tpu.memory_space<hbm>> -> memref<4x128xi32, #tpu.memory_space<hbm>>
      %dma_start3A_653 = arith.constant 0 : i32
      %dma_start3A_654 = arith.constant 0 : i32
      %dma_start3A_655 = tpu.memref_slice %arg2[%add3A, %dma_start3A_653, %dma_start3A_654] : memref<32x4x128xi32, #tpu.memory_space<hbm>> -> memref<1x4x128xi32, #tpu.memory_space<hbm>>
      %dma_start3A_656 = tpu.memref_squeeze %dma_start3A_655 : memref<1x4x128xi32, #tpu.memory_space<hbm>> -> memref<4x128xi32, #tpu.memory_space<hbm>>
      tpu.enqueue_dma source(%dma_start3A_656 : memref<4x128xi32, #tpu.memory_space<hbm>>) target(%arg10 : memref<4x128xi32, #tpu.memory_space<vmem>>) target_semaphore(%run_scoped3A : memref<!tpu.dma_semaphore, #tpu.memory_space<semaphore_mem>>)
      %dma_wait3A_657 = arith.constant 0 : i32
      %dma_wait3A_658 = arith.constant 0 : i32
      %dma_wait3A_659 = tpu.memref_slice %arg2[%add3A, %dma_wait3A_657, %dma_wait3A_658] : memref<32x4x128xi32, #tpu.memory_space<hbm>> -> memref<1x4x128xi32, #tpu.memory_space<hbm>>
      %dma_wait3A_660 = tpu.memref_squeeze %dma_wait3A_659 : memref<1x4x128xi32, #tpu.memory_space<hbm>> -> memref<4x128xi32, #tpu.memory_space<hbm>>
      %dma_wait3A_661 = arith.constant 0 : i32
      %dma_wait3A_662 = arith.constant 0 : i32
      %dma_wait3A_663 = tpu.memref_slice %arg2[%add3A, %dma_wait3A_661, %dma_wait3A_662] : memref<32x4x128xi32, #tpu.memory_space<hbm>> -> memref<1x4x128xi32, #tpu.memory_space<hbm>>
      %dma_wait3A_664 = tpu.memref_squeeze %dma_wait3A_663 : memref<1x4x128xi32, #tpu.memory_space<hbm>> -> memref<4x128xi32, #tpu.memory_space<hbm>>
      tpu.wait_dma2 semaphore(%run_scoped3A : memref<!tpu.dma_semaphore, #tpu.memory_space<semaphore_mem>>) src(%dma_wait3A_664 : memref<4x128xi32, #tpu.memory_space<hbm>>) dst(%arg10 : memref<4x128xi32, #tpu.memory_space<vmem>>)
      tpu.yield
    }) : () -> ()
    "tpu.region"() ({
      %run_scoped3A = tpu.sem_alloc : memref<!tpu.dma_semaphore, #tpu.memory_space<semaphore_mem>>
      %dma_start3A_649 = arith.constant 0 : i32
      %dma_start3A_650 = arith.constant 0 : i32
      %dma_start3A_651 = tpu.memref_slice %arg3[%add3A, %dma_start3A_649, %dma_start3A_650] : memref<32x4x128xi32, #tpu.memory_space<hbm>> -> memref<1x4x128xi32, #tpu.memory_space<hbm>>
      %dma_start3A_652 = tpu.memref_squeeze %dma_start3A_651 : memref<1x4x128xi32, #tpu.memory_space<hbm>> -> memref<4x128xi32, #tpu.memory_space<hbm>>
      %dma_start3A_653 = arith.constant 0 : i32
      %dma_start3A_654 = arith.constant 0 : i32
      %dma_start3A_655 = tpu.memref_slice %arg3[%add3A, %dma_start3A_653, %dma_start3A_654] : memref<32x4x128xi32, #tpu.memory_space<hbm>> -> memref<1x4x128xi32, #tpu.memory_space<hbm>>
      %dma_start3A_656 = tpu.memref_squeeze %dma_start3A_655 : memref<1x4x128xi32, #tpu.memory_space<hbm>> -> memref<4x128xi32, #tpu.memory_space<hbm>>
      tpu.enqueue_dma source(%dma_start3A_656 : memref<4x128xi32, #tpu.memory_space<hbm>>) target(%arg11 : memref<4x128xi32, #tpu.memory_space<vmem>>) target_semaphore(%run_scoped3A : memref<!tpu.dma_semaphore, #tpu.memory_space<semaphore_mem>>)
      %dma_wait3A_657 = arith.constant 0 : i32
      %dma_wait3A_658 = arith.constant 0 : i32
      %dma_wait3A_659 = tpu.memref_slice %arg3[%add3A, %dma_wait3A_657, %dma_wait3A_658] : memref<32x4x128xi32, #tpu.memory_space<hbm>> -> memref<1x4x128xi32, #tpu.memory_space<hbm>>
      %dma_wait3A_660 = tpu.memref_squeeze %dma_wait3A_659 : memref<1x4x128xi32, #tpu.memory_space<hbm>> -> memref<4x128xi32, #tpu.memory_space<hbm>>
      %dma_wait3A_661 = arith.constant 0 : i32
      %dma_wait3A_662 = arith.constant 0 : i32
      %dma_wait3A_663 = tpu.memref_slice %arg3[%add3A, %dma_wait3A_661, %dma_wait3A_662] : memref<32x4x128xi32, #tpu.memory_space<hbm>> -> memref<1x4x128xi32, #tpu.memory_space<hbm>>
      %dma_wait3A_664 = tpu.memref_squeeze %dma_wait3A_663 : memref<1x4x128xi32, #tpu.memory_space<hbm>> -> memref<4x128xi32, #tpu.memory_space<hbm>>
      tpu.wait_dma2 semaphore(%run_scoped3A : memref<!tpu.dma_semaphore, #tpu.memory_space<semaphore_mem>>) src(%dma_wait3A_664 : memref<4x128xi32, #tpu.memory_space<hbm>>) dst(%arg11 : memref<4x128xi32, #tpu.memory_space<vmem>>)
      tpu.yield
    }) : () -> ()
    %dma_start3A = arith.constant 0 : i32
    %dma_start3A_3 = arith.constant 0 : i32
    %dma_start3A_4 = arith.constant 0 : i32
    %dma_start3A_5 = tpu.memref_slice %arg12[%dma_start3A_3, %dma_start3A_4] : memref<512x16xf32, #tpu.memory_space<vmem>> -> memref<128x16xf32, #tpu.memory_space<vmem>>
    %dma_start3A_6 = arith.constant 0 : i32
    %dma_start3A_7 = tpu.memref_slice %arg10[%dma_start3A, %dma_start3A_6] : memref<4x128xi32, #tpu.memory_space<vmem>> -> memref<1x128xi32, #tpu.memory_space<vmem>>
    %dma_start3A_8 = tpu.memref_squeeze %dma_start3A_7 : memref<1x128xi32, #tpu.memory_space<vmem>> -> memref<128xi32, #tpu.memory_space<vmem>>
    %dma_start3A_9 = arith.constant 0 : i32
    %dma_start3A_10 = arith.constant 0 : i32
    %dma_start3A_11 = tpu.memref_slice %arg4[%dma_start3A_9, %dma_start3A_10] : memref<1000000x16xf32, #tpu.memory_space<hbm>> -> memref<1000000x16xf32, #tpu.memory_space<hbm>>
    tpu.enqueue_indirect_dma source(%dma_start3A_11 : memref<1000000x16xf32, #tpu.memory_space<hbm>>) target(%dma_start3A_5 : memref<128x16xf32, #tpu.memory_space<vmem>>) offsets(%dma_start3A_8 : memref<128xi32, #tpu.memory_space<vmem>>) semaphore(%arg18 : memref<!tpu.dma_semaphore, #tpu.memory_space<semaphore_mem>>)
    %dma_start3A_12 = arith.constant 0 : i32
    %dma_start3A_13 = arith.constant 0 : i32
    %dma_start3A_14 = arith.constant 0 : i32
    %dma_start3A_15 = tpu.memref_slice %arg13[%dma_start3A_13, %dma_start3A_14] : memref<512x16xf32, #tpu.memory_space<vmem>> -> memref<128x16xf32, #tpu.memory_space<vmem>>
    %dma_start3A_16 = arith.constant 0 : i32
    %dma_start3A_17 = tpu.memref_slice %arg11[%dma_start3A_12, %dma_start3A_16] : memref<4x128xi32, #tpu.memory_space<vmem>> -> memref<1x128xi32, #tpu.memory_space<vmem>>
    %dma_start3A_18 = tpu.memref_squeeze %dma_start3A_17 : memref<1x128xi32, #tpu.memory_space<vmem>> -> memref<128xi32, #tpu.memory_space<vmem>>
    %dma_start3A_19 = arith.constant 0 : i32
    %dma_start3A_20 = arith.constant 0 : i32
    %dma_start3A_21 = tpu.memref_slice %arg6[%dma_start3A_19, %dma_start3A_20] : memref<1000000x16xf32, #tpu.memory_space<hbm>> -> memref<1000000x16xf32, #tpu.memory_space<hbm>>
    tpu.enqueue_indirect_dma source(%dma_start3A_21 : memref<1000000x16xf32, #tpu.memory_space<hbm>>) target(%dma_start3A_15 : memref<128x16xf32, #tpu.memory_space<vmem>>) offsets(%dma_start3A_18 : memref<128xi32, #tpu.memory_space<vmem>>) semaphore(%arg18 : memref<!tpu.dma_semaphore, #tpu.memory_space<semaphore_mem>>)
    %dma_start3A_22 = arith.constant 0 : i32
    %dma_start3A_23 = arith.constant 0 : i32
    %dma_start3A_24 = tpu.memref_slice %arg14[%dma_start3A_23] : memref<512xf32, #tpu.memory_space<vmem>> -> memref<128xf32, #tpu.memory_space<vmem>>
    %dma_start3A_25 = arith.constant 0 : i32
    %dma_start3A_26 = tpu.memref_slice %arg10[%dma_start3A_22, %dma_start3A_25] : memref<4x128xi32, #tpu.memory_space<vmem>> -> memref<1x128xi32, #tpu.memory_space<vmem>>
    %dma_start3A_27 = tpu.memref_squeeze %dma_start3A_26 : memref<1x128xi32, #tpu.memory_space<vmem>> -> memref<128xi32, #tpu.memory_space<vmem>>
    %dma_start3A_28 = arith.constant 0 : i32
    %dma_start3A_29 = tpu.memref_slice %arg5[%dma_start3A_28] : memref<1000000xf32, #tpu.memory_space<hbm>> -> memref<1000000xf32, #tpu.memory_space<hbm>>
    tpu.enqueue_indirect_dma source(%dma_start3A_29 : memref<1000000xf32, #tpu.memory_space<hbm>>) target(%dma_start3A_24 : memref<128xf32, #tpu.memory_space<vmem>>) offsets(%dma_start3A_27 : memref<128xi32, #tpu.memory_space<vmem>>) semaphore(%arg18 : memref<!tpu.dma_semaphore, #tpu.memory_space<semaphore_mem>>)
    %dma_start3A_30 = arith.constant 0 : i32
    %dma_start3A_31 = arith.constant 0 : i32
    %dma_start3A_32 = tpu.memref_slice %arg15[%dma_start3A_31] : memref<512xf32, #tpu.memory_space<vmem>> -> memref<128xf32, #tpu.memory_space<vmem>>
    %dma_start3A_33 = arith.constant 0 : i32
    %dma_start3A_34 = tpu.memref_slice %arg11[%dma_start3A_30, %dma_start3A_33] : memref<4x128xi32, #tpu.memory_space<vmem>> -> memref<1x128xi32, #tpu.memory_space<vmem>>
    %dma_start3A_35 = tpu.memref_squeeze %dma_start3A_34 : memref<1x128xi32, #tpu.memory_space<vmem>> -> memref<128xi32, #tpu.memory_space<vmem>>
    %dma_start3A_36 = arith.constant 0 : i32
    %dma_start3A_37 = tpu.memref_slice %arg7[%dma_start3A_36] : memref<1000000xf32, #tpu.memory_space<hbm>> -> memref<1000000xf32, #tpu.memory_space<hbm>>
    tpu.enqueue_indirect_dma source(%dma_start3A_37 : memref<1000000xf32, #tpu.memory_space<hbm>>) target(%dma_start3A_32 : memref<128xf32, #tpu.memory_space<vmem>>) offsets(%dma_start3A_35 : memref<128xi32, #tpu.memory_space<vmem>>) semaphore(%arg18 : memref<!tpu.dma_semaphore, #tpu.memory_space<semaphore_mem>>)
    %dma_start3A_38 = arith.constant 1 : i32
    %dma_start3A_39 = arith.constant 128 : i32
    %dma_start3A_40 = arith.constant 0 : i32
    %dma_start3A_41 = tpu.memref_slice %arg12[%dma_start3A_39, %dma_start3A_40] : memref<512x16xf32, #tpu.memory_space<vmem>> -> memref<128x16xf32, #tpu.memory_space<vmem>>
    %dma_start3A_42 = arith.constant 0 : i32
    %dma_start3A_43 = tpu.memref_slice %arg10[%dma_start3A_38, %dma_start3A_42] : memref<4x128xi32, #tpu.memory_space<vmem>> -> memref<1x128xi32, #tpu.memory_space<vmem>>
    %dma_start3A_44 = tpu.memref_squeeze %dma_start3A_43 : memref<1x128xi32, #tpu.memory_space<vmem>> -> memref<128xi32, #tpu.memory_space<vmem>>
    %dma_start3A_45 = arith.constant 0 : i32
    %dma_start3A_46 = arith.constant 0 : i32
    %dma_start3A_47 = tpu.memref_slice %arg4[%dma_start3A_45, %dma_start3A_46] : memref<1000000x16xf32, #tpu.memory_space<hbm>> -> memref<1000000x16xf32, #tpu.memory_space<hbm>>
    tpu.enqueue_indirect_dma source(%dma_start3A_47 : memref<1000000x16xf32, #tpu.memory_space<hbm>>) target(%dma_start3A_41 : memref<128x16xf32, #tpu.memory_space<vmem>>) offsets(%dma_start3A_44 : memref<128xi32, #tpu.memory_space<vmem>>) semaphore(%arg18 : memref<!tpu.dma_semaphore, #tpu.memory_space<semaphore_mem>>)
    %dma_start3A_48 = arith.constant 1 : i32
    %dma_start3A_49 = arith.constant 128 : i32
    %dma_start3A_50 = arith.constant 0 : i32
    %dma_start3A_51 = tpu.memref_slice %arg13[%dma_start3A_49, %dma_start3A_50] : memref<512x16xf32, #tpu.memory_space<vmem>> -> memref<128x16xf32, #tpu.memory_space<vmem>>
    %dma_start3A_52 = arith.constant 0 : i32
    %dma_start3A_53 = tpu.memref_slice %arg11[%dma_start3A_48, %dma_start3A_52] : memref<4x128xi32, #tpu.memory_space<vmem>> -> memref<1x128xi32, #tpu.memory_space<vmem>>
    %dma_start3A_54 = tpu.memref_squeeze %dma_start3A_53 : memref<1x128xi32, #tpu.memory_space<vmem>> -> memref<128xi32, #tpu.memory_space<vmem>>
    %dma_start3A_55 = arith.constant 0 : i32
    %dma_start3A_56 = arith.constant 0 : i32
    %dma_start3A_57 = tpu.memref_slice %arg6[%dma_start3A_55, %dma_start3A_56] : memref<1000000x16xf32, #tpu.memory_space<hbm>> -> memref<1000000x16xf32, #tpu.memory_space<hbm>>
    tpu.enqueue_indirect_dma source(%dma_start3A_57 : memref<1000000x16xf32, #tpu.memory_space<hbm>>) target(%dma_start3A_51 : memref<128x16xf32, #tpu.memory_space<vmem>>) offsets(%dma_start3A_54 : memref<128xi32, #tpu.memory_space<vmem>>) semaphore(%arg18 : memref<!tpu.dma_semaphore, #tpu.memory_space<semaphore_mem>>)
    %dma_start3A_58 = arith.constant 1 : i32
    %dma_start3A_59 = arith.constant 128 : i32
    %dma_start3A_60 = tpu.memref_slice %arg14[%dma_start3A_59] : memref<512xf32, #tpu.memory_space<vmem>> -> memref<128xf32, #tpu.memory_space<vmem>>
    %dma_start3A_61 = arith.constant 0 : i32
    %dma_start3A_62 = tpu.memref_slice %arg10[%dma_start3A_58, %dma_start3A_61] : memref<4x128xi32, #tpu.memory_space<vmem>> -> memref<1x128xi32, #tpu.memory_space<vmem>>
    %dma_start3A_63 = tpu.memref_squeeze %dma_start3A_62 : memref<1x128xi32, #tpu.memory_space<vmem>> -> memref<128xi32, #tpu.memory_space<vmem>>
    %dma_start3A_64 = arith.constant 0 : i32
    %dma_start3A_65 = tpu.memref_slice %arg5[%dma_start3A_64] : memref<1000000xf32, #tpu.memory_space<hbm>> -> memref<1000000xf32, #tpu.memory_space<hbm>>
    tpu.enqueue_indirect_dma source(%dma_start3A_65 : memref<1000000xf32, #tpu.memory_space<hbm>>) target(%dma_start3A_60 : memref<128xf32, #tpu.memory_space<vmem>>) offsets(%dma_start3A_63 : memref<128xi32, #tpu.memory_space<vmem>>) semaphore(%arg18 : memref<!tpu.dma_semaphore, #tpu.memory_space<semaphore_mem>>)
    %dma_start3A_66 = arith.constant 1 : i32
    %dma_start3A_67 = arith.constant 128 : i32
    %dma_start3A_68 = tpu.memref_slice %arg15[%dma_start3A_67] : memref<512xf32, #tpu.memory_space<vmem>> -> memref<128xf32, #tpu.memory_space<vmem>>
    %dma_start3A_69 = arith.constant 0 : i32
    %dma_start3A_70 = tpu.memref_slice %arg11[%dma_start3A_66, %dma_start3A_69] : memref<4x128xi32, #tpu.memory_space<vmem>> -> memref<1x128xi32, #tpu.memory_space<vmem>>
    %dma_start3A_71 = tpu.memref_squeeze %dma_start3A_70 : memref<1x128xi32, #tpu.memory_space<vmem>> -> memref<128xi32, #tpu.memory_space<vmem>>
    %dma_start3A_72 = arith.constant 0 : i32
    %dma_start3A_73 = tpu.memref_slice %arg7[%dma_start3A_72] : memref<1000000xf32, #tpu.memory_space<hbm>> -> memref<1000000xf32, #tpu.memory_space<hbm>>
    tpu.enqueue_indirect_dma source(%dma_start3A_73 : memref<1000000xf32, #tpu.memory_space<hbm>>) target(%dma_start3A_68 : memref<128xf32, #tpu.memory_space<vmem>>) offsets(%dma_start3A_71 : memref<128xi32, #tpu.memory_space<vmem>>) semaphore(%arg18 : memref<!tpu.dma_semaphore, #tpu.memory_space<semaphore_mem>>)
    %dma_start3A_74 = arith.constant 2 : i32
    %dma_start3A_75 = arith.constant 256 : i32
    %dma_start3A_76 = arith.constant 0 : i32
    %dma_start3A_77 = tpu.memref_slice %arg12[%dma_start3A_75, %dma_start3A_76] : memref<512x16xf32, #tpu.memory_space<vmem>> -> memref<128x16xf32, #tpu.memory_space<vmem>>
    %dma_start3A_78 = arith.constant 0 : i32
    %dma_start3A_79 = tpu.memref_slice %arg10[%dma_start3A_74, %dma_start3A_78] : memref<4x128xi32, #tpu.memory_space<vmem>> -> memref<1x128xi32, #tpu.memory_space<vmem>>
    %dma_start3A_80 = tpu.memref_squeeze %dma_start3A_79 : memref<1x128xi32, #tpu.memory_space<vmem>> -> memref<128xi32, #tpu.memory_space<vmem>>
    %dma_start3A_81 = arith.constant 0 : i32
    %dma_start3A_82 = arith.constant 0 : i32
    %dma_start3A_83 = tpu.memref_slice %arg4[%dma_start3A_81, %dma_start3A_82] : memref<1000000x16xf32, #tpu.memory_space<hbm>> -> memref<1000000x16xf32, #tpu.memory_space<hbm>>
    tpu.enqueue_indirect_dma source(%dma_start3A_83 : memref<1000000x16xf32, #tpu.memory_space<hbm>>) target(%dma_start3A_77 : memref<128x16xf32, #tpu.memory_space<vmem>>) offsets(%dma_start3A_80 : memref<128xi32, #tpu.memory_space<vmem>>) semaphore(%arg18 : memref<!tpu.dma_semaphore, #tpu.memory_space<semaphore_mem>>)
    %dma_start3A_84 = arith.constant 2 : i32
    %dma_start3A_85 = arith.constant 256 : i32
    %dma_start3A_86 = arith.constant 0 : i32
    %dma_start3A_87 = tpu.memref_slice %arg13[%dma_start3A_85, %dma_start3A_86] : memref<512x16xf32, #tpu.memory_space<vmem>> -> memref<128x16xf32, #tpu.memory_space<vmem>>
    %dma_start3A_88 = arith.constant 0 : i32
    %dma_start3A_89 = tpu.memref_slice %arg11[%dma_start3A_84, %dma_start3A_88] : memref<4x128xi32, #tpu.memory_space<vmem>> -> memref<1x128xi32, #tpu.memory_space<vmem>>
    %dma_start3A_90 = tpu.memref_squeeze %dma_start3A_89 : memref<1x128xi32, #tpu.memory_space<vmem>> -> memref<128xi32, #tpu.memory_space<vmem>>
    %dma_start3A_91 = arith.constant 0 : i32
    %dma_start3A_92 = arith.constant 0 : i32
    %dma_start3A_93 = tpu.memref_slice %arg6[%dma_start3A_91, %dma_start3A_92] : memref<1000000x16xf32, #tpu.memory_space<hbm>> -> memref<1000000x16xf32, #tpu.memory_space<hbm>>
    tpu.enqueue_indirect_dma source(%dma_start3A_93 : memref<1000000x16xf32, #tpu.memory_space<hbm>>) target(%dma_start3A_87 : memref<128x16xf32, #tpu.memory_space<vmem>>) offsets(%dma_start3A_90 : memref<128xi32, #tpu.memory_space<vmem>>) semaphore(%arg18 : memref<!tpu.dma_semaphore, #tpu.memory_space<semaphore_mem>>)
    %dma_start3A_94 = arith.constant 2 : i32
    %dma_start3A_95 = arith.constant 256 : i32
    %dma_start3A_96 = tpu.memref_slice %arg14[%dma_start3A_95] : memref<512xf32, #tpu.memory_space<vmem>> -> memref<128xf32, #tpu.memory_space<vmem>>
    %dma_start3A_97 = arith.constant 0 : i32
    %dma_start3A_98 = tpu.memref_slice %arg10[%dma_start3A_94, %dma_start3A_97] : memref<4x128xi32, #tpu.memory_space<vmem>> -> memref<1x128xi32, #tpu.memory_space<vmem>>
    %dma_start3A_99 = tpu.memref_squeeze %dma_start3A_98 : memref<1x128xi32, #tpu.memory_space<vmem>> -> memref<128xi32, #tpu.memory_space<vmem>>
    %dma_start3A_100 = arith.constant 0 : i32
    %dma_start3A_101 = tpu.memref_slice %arg5[%dma_start3A_100] : memref<1000000xf32, #tpu.memory_space<hbm>> -> memref<1000000xf32, #tpu.memory_space<hbm>>
    tpu.enqueue_indirect_dma source(%dma_start3A_101 : memref<1000000xf32, #tpu.memory_space<hbm>>) target(%dma_start3A_96 : memref<128xf32, #tpu.memory_space<vmem>>) offsets(%dma_start3A_99 : memref<128xi32, #tpu.memory_space<vmem>>) semaphore(%arg18 : memref<!tpu.dma_semaphore, #tpu.memory_space<semaphore_mem>>)
    %dma_start3A_102 = arith.constant 2 : i32
    %dma_start3A_103 = arith.constant 256 : i32
    %dma_start3A_104 = tpu.memref_slice %arg15[%dma_start3A_103] : memref<512xf32, #tpu.memory_space<vmem>> -> memref<128xf32, #tpu.memory_space<vmem>>
    %dma_start3A_105 = arith.constant 0 : i32
    %dma_start3A_106 = tpu.memref_slice %arg11[%dma_start3A_102, %dma_start3A_105] : memref<4x128xi32, #tpu.memory_space<vmem>> -> memref<1x128xi32, #tpu.memory_space<vmem>>
    %dma_start3A_107 = tpu.memref_squeeze %dma_start3A_106 : memref<1x128xi32, #tpu.memory_space<vmem>> -> memref<128xi32, #tpu.memory_space<vmem>>
    %dma_start3A_108 = arith.constant 0 : i32
    %dma_start3A_109 = tpu.memref_slice %arg7[%dma_start3A_108] : memref<1000000xf32, #tpu.memory_space<hbm>> -> memref<1000000xf32, #tpu.memory_space<hbm>>
    tpu.enqueue_indirect_dma source(%dma_start3A_109 : memref<1000000xf32, #tpu.memory_space<hbm>>) target(%dma_start3A_104 : memref<128xf32, #tpu.memory_space<vmem>>) offsets(%dma_start3A_107 : memref<128xi32, #tpu.memory_space<vmem>>) semaphore(%arg18 : memref<!tpu.dma_semaphore, #tpu.memory_space<semaphore_mem>>)
    %dma_start3A_110 = arith.constant 3 : i32
    %dma_start3A_111 = arith.constant 384 : i32
    %dma_start3A_112 = arith.constant 0 : i32
    %dma_start3A_113 = tpu.memref_slice %arg12[%dma_start3A_111, %dma_start3A_112] : memref<512x16xf32, #tpu.memory_space<vmem>> -> memref<128x16xf32, #tpu.memory_space<vmem>>
    %dma_start3A_114 = arith.constant 0 : i32
    %dma_start3A_115 = tpu.memref_slice %arg10[%dma_start3A_110, %dma_start3A_114] : memref<4x128xi32, #tpu.memory_space<vmem>> -> memref<1x128xi32, #tpu.memory_space<vmem>>
    %dma_start3A_116 = tpu.memref_squeeze %dma_start3A_115 : memref<1x128xi32, #tpu.memory_space<vmem>> -> memref<128xi32, #tpu.memory_space<vmem>>
    %dma_start3A_117 = arith.constant 0 : i32
    %dma_start3A_118 = arith.constant 0 : i32
    %dma_start3A_119 = tpu.memref_slice %arg4[%dma_start3A_117, %dma_start3A_118] : memref<1000000x16xf32, #tpu.memory_space<hbm>> -> memref<1000000x16xf32, #tpu.memory_space<hbm>>
    tpu.enqueue_indirect_dma source(%dma_start3A_119 : memref<1000000x16xf32, #tpu.memory_space<hbm>>) target(%dma_start3A_113 : memref<128x16xf32, #tpu.memory_space<vmem>>) offsets(%dma_start3A_116 : memref<128xi32, #tpu.memory_space<vmem>>) semaphore(%arg18 : memref<!tpu.dma_semaphore, #tpu.memory_space<semaphore_mem>>)
    %dma_start3A_120 = arith.constant 3 : i32
    %dma_start3A_121 = arith.constant 384 : i32
    %dma_start3A_122 = arith.constant 0 : i32
    %dma_start3A_123 = tpu.memref_slice %arg13[%dma_start3A_121, %dma_start3A_122] : memref<512x16xf32, #tpu.memory_space<vmem>> -> memref<128x16xf32, #tpu.memory_space<vmem>>
    %dma_start3A_124 = arith.constant 0 : i32
    %dma_start3A_125 = tpu.memref_slice %arg11[%dma_start3A_120, %dma_start3A_124] : memref<4x128xi32, #tpu.memory_space<vmem>> -> memref<1x128xi32, #tpu.memory_space<vmem>>
    %dma_start3A_126 = tpu.memref_squeeze %dma_start3A_125 : memref<1x128xi32, #tpu.memory_space<vmem>> -> memref<128xi32, #tpu.memory_space<vmem>>
    %dma_start3A_127 = arith.constant 0 : i32
    %dma_start3A_128 = arith.constant 0 : i32
    %dma_start3A_129 = tpu.memref_slice %arg6[%dma_start3A_127, %dma_start3A_128] : memref<1000000x16xf32, #tpu.memory_space<hbm>> -> memref<1000000x16xf32, #tpu.memory_space<hbm>>
    tpu.enqueue_indirect_dma source(%dma_start3A_129 : memref<1000000x16xf32, #tpu.memory_space<hbm>>) target(%dma_start3A_123 : memref<128x16xf32, #tpu.memory_space<vmem>>) offsets(%dma_start3A_126 : memref<128xi32, #tpu.memory_space<vmem>>) semaphore(%arg18 : memref<!tpu.dma_semaphore, #tpu.memory_space<semaphore_mem>>)
    %dma_start3A_130 = arith.constant 3 : i32
    %dma_start3A_131 = arith.constant 384 : i32
    %dma_start3A_132 = tpu.memref_slice %arg14[%dma_start3A_131] : memref<512xf32, #tpu.memory_space<vmem>> -> memref<128xf32, #tpu.memory_space<vmem>>
    %dma_start3A_133 = arith.constant 0 : i32
    %dma_start3A_134 = tpu.memref_slice %arg10[%dma_start3A_130, %dma_start3A_133] : memref<4x128xi32, #tpu.memory_space<vmem>> -> memref<1x128xi32, #tpu.memory_space<vmem>>
    %dma_start3A_135 = tpu.memref_squeeze %dma_start3A_134 : memref<1x128xi32, #tpu.memory_space<vmem>> -> memref<128xi32, #tpu.memory_space<vmem>>
    %dma_start3A_136 = arith.constant 0 : i32
    %dma_start3A_137 = tpu.memref_slice %arg5[%dma_start3A_136] : memref<1000000xf32, #tpu.memory_space<hbm>> -> memref<1000000xf32, #tpu.memory_space<hbm>>
    tpu.enqueue_indirect_dma source(%dma_start3A_137 : memref<1000000xf32, #tpu.memory_space<hbm>>) target(%dma_start3A_132 : memref<128xf32, #tpu.memory_space<vmem>>) offsets(%dma_start3A_135 : memref<128xi32, #tpu.memory_space<vmem>>) semaphore(%arg18 : memref<!tpu.dma_semaphore, #tpu.memory_space<semaphore_mem>>)
    %dma_start3A_138 = arith.constant 3 : i32
    %dma_start3A_139 = arith.constant 384 : i32
    %dma_start3A_140 = tpu.memref_slice %arg15[%dma_start3A_139] : memref<512xf32, #tpu.memory_space<vmem>> -> memref<128xf32, #tpu.memory_space<vmem>>
    %dma_start3A_141 = arith.constant 0 : i32
    %dma_start3A_142 = tpu.memref_slice %arg11[%dma_start3A_138, %dma_start3A_141] : memref<4x128xi32, #tpu.memory_space<vmem>> -> memref<1x128xi32, #tpu.memory_space<vmem>>
    %dma_start3A_143 = tpu.memref_squeeze %dma_start3A_142 : memref<1x128xi32, #tpu.memory_space<vmem>> -> memref<128xi32, #tpu.memory_space<vmem>>
    %dma_start3A_144 = arith.constant 0 : i32
    %dma_start3A_145 = tpu.memref_slice %arg7[%dma_start3A_144] : memref<1000000xf32, #tpu.memory_space<hbm>> -> memref<1000000xf32, #tpu.memory_space<hbm>>
    tpu.enqueue_indirect_dma source(%dma_start3A_145 : memref<1000000xf32, #tpu.memory_space<hbm>>) target(%dma_start3A_140 : memref<128xf32, #tpu.memory_space<vmem>>) offsets(%dma_start3A_143 : memref<128xi32, #tpu.memory_space<vmem>>) semaphore(%arg18 : memref<!tpu.dma_semaphore, #tpu.memory_space<semaphore_mem>>)
    %dma_wait3A = arith.constant 0 : i32
    %dma_wait3A_146 = arith.constant 0 : i32
    %dma_wait3A_147 = arith.constant 0 : i32
    %dma_wait3A_148 = tpu.memref_slice %arg12[%dma_wait3A_146, %dma_wait3A_147] : memref<512x16xf32, #tpu.memory_space<vmem>> -> memref<128x16xf32, #tpu.memory_space<vmem>>
    %dma_wait3A_149 = arith.constant 0 : i32
    %dma_wait3A_150 = tpu.memref_slice %arg10[%dma_wait3A, %dma_wait3A_149] : memref<4x128xi32, #tpu.memory_space<vmem>> -> memref<1x128xi32, #tpu.memory_space<vmem>>
    %dma_wait3A_151 = tpu.memref_squeeze %dma_wait3A_150 : memref<1x128xi32, #tpu.memory_space<vmem>> -> memref<128xi32, #tpu.memory_space<vmem>>
    %dma_wait3A_152 = arith.constant 0 : i32
    %dma_wait3A_153 = arith.constant 0 : i32
    %dma_wait3A_154 = tpu.memref_slice %arg4[%dma_wait3A_152, %dma_wait3A_153] : memref<1000000x16xf32, #tpu.memory_space<hbm>> -> memref<1000000x16xf32, #tpu.memory_space<hbm>>
    tpu.wait_indirect_dma semaphore(%arg18 : memref<!tpu.dma_semaphore, #tpu.memory_space<semaphore_mem>>) src(%dma_wait3A_154 : memref<1000000x16xf32, #tpu.memory_space<hbm>>) dst(%dma_wait3A_148 : memref<128x16xf32, #tpu.memory_space<vmem>>)
    %dma_wait3A_155 = arith.constant 0 : i32
    %dma_wait3A_156 = arith.constant 0 : i32
    %dma_wait3A_157 = arith.constant 0 : i32
    %dma_wait3A_158 = tpu.memref_slice %arg13[%dma_wait3A_156, %dma_wait3A_157] : memref<512x16xf32, #tpu.memory_space<vmem>> -> memref<128x16xf32, #tpu.memory_space<vmem>>
    %dma_wait3A_159 = arith.constant 0 : i32
    %dma_wait3A_160 = tpu.memref_slice %arg11[%dma_wait3A_155, %dma_wait3A_159] : memref<4x128xi32, #tpu.memory_space<vmem>> -> memref<1x128xi32, #tpu.memory_space<vmem>>
    %dma_wait3A_161 = tpu.memref_squeeze %dma_wait3A_160 : memref<1x128xi32, #tpu.memory_space<vmem>> -> memref<128xi32, #tpu.memory_space<vmem>>
    %dma_wait3A_162 = arith.constant 0 : i32
    %dma_wait3A_163 = arith.constant 0 : i32
    %dma_wait3A_164 = tpu.memref_slice %arg6[%dma_wait3A_162, %dma_wait3A_163] : memref<1000000x16xf32, #tpu.memory_space<hbm>> -> memref<1000000x16xf32, #tpu.memory_space<hbm>>
    tpu.wait_indirect_dma semaphore(%arg18 : memref<!tpu.dma_semaphore, #tpu.memory_space<semaphore_mem>>) src(%dma_wait3A_164 : memref<1000000x16xf32, #tpu.memory_space<hbm>>) dst(%dma_wait3A_158 : memref<128x16xf32, #tpu.memory_space<vmem>>)
    %dma_wait3A_165 = arith.constant 0 : i32
    %dma_wait3A_166 = arith.constant 0 : i32
    %dma_wait3A_167 = tpu.memref_slice %arg14[%dma_wait3A_166] : memref<512xf32, #tpu.memory_space<vmem>> -> memref<128xf32, #tpu.memory_space<vmem>>
    %dma_wait3A_168 = arith.constant 0 : i32
    %dma_wait3A_169 = tpu.memref_slice %arg10[%dma_wait3A_165, %dma_wait3A_168] : memref<4x128xi32, #tpu.memory_space<vmem>> -> memref<1x128xi32, #tpu.memory_space<vmem>>
    %dma_wait3A_170 = tpu.memref_squeeze %dma_wait3A_169 : memref<1x128xi32, #tpu.memory_space<vmem>> -> memref<128xi32, #tpu.memory_space<vmem>>
    %dma_wait3A_171 = arith.constant 0 : i32
    %dma_wait3A_172 = tpu.memref_slice %arg5[%dma_wait3A_171] : memref<1000000xf32, #tpu.memory_space<hbm>> -> memref<1000000xf32, #tpu.memory_space<hbm>>
    tpu.wait_indirect_dma semaphore(%arg18 : memref<!tpu.dma_semaphore, #tpu.memory_space<semaphore_mem>>) src(%dma_wait3A_172 : memref<1000000xf32, #tpu.memory_space<hbm>>) dst(%dma_wait3A_167 : memref<128xf32, #tpu.memory_space<vmem>>)
    %dma_wait3A_173 = arith.constant 0 : i32
    %dma_wait3A_174 = arith.constant 0 : i32
    %dma_wait3A_175 = tpu.memref_slice %arg15[%dma_wait3A_174] : memref<512xf32, #tpu.memory_space<vmem>> -> memref<128xf32, #tpu.memory_space<vmem>>
    %dma_wait3A_176 = arith.constant 0 : i32
    %dma_wait3A_177 = tpu.memref_slice %arg11[%dma_wait3A_173, %dma_wait3A_176] : memref<4x128xi32, #tpu.memory_space<vmem>> -> memref<1x128xi32, #tpu.memory_space<vmem>>
    %dma_wait3A_178 = tpu.memref_squeeze %dma_wait3A_177 : memref<1x128xi32, #tpu.memory_space<vmem>> -> memref<128xi32, #tpu.memory_space<vmem>>
    %dma_wait3A_179 = arith.constant 0 : i32
    %dma_wait3A_180 = tpu.memref_slice %arg7[%dma_wait3A_179] : memref<1000000xf32, #tpu.memory_space<hbm>> -> memref<1000000xf32, #tpu.memory_space<hbm>>
    tpu.wait_indirect_dma semaphore(%arg18 : memref<!tpu.dma_semaphore, #tpu.memory_space<semaphore_mem>>) src(%dma_wait3A_180 : memref<1000000xf32, #tpu.memory_space<hbm>>) dst(%dma_wait3A_175 : memref<128xf32, #tpu.memory_space<vmem>>)
    %dma_wait3A_181 = arith.constant 1 : i32
    %dma_wait3A_182 = arith.constant 128 : i32
    %dma_wait3A_183 = arith.constant 0 : i32
    %dma_wait3A_184 = tpu.memref_slice %arg12[%dma_wait3A_182, %dma_wait3A_183] : memref<512x16xf32, #tpu.memory_space<vmem>> -> memref<128x16xf32, #tpu.memory_space<vmem>>
    %dma_wait3A_185 = arith.constant 0 : i32
    %dma_wait3A_186 = tpu.memref_slice %arg10[%dma_wait3A_181, %dma_wait3A_185] : memref<4x128xi32, #tpu.memory_space<vmem>> -> memref<1x128xi32, #tpu.memory_space<vmem>>
    %dma_wait3A_187 = tpu.memref_squeeze %dma_wait3A_186 : memref<1x128xi32, #tpu.memory_space<vmem>> -> memref<128xi32, #tpu.memory_space<vmem>>
    %dma_wait3A_188 = arith.constant 0 : i32
    %dma_wait3A_189 = arith.constant 0 : i32
    %dma_wait3A_190 = tpu.memref_slice %arg4[%dma_wait3A_188, %dma_wait3A_189] : memref<1000000x16xf32, #tpu.memory_space<hbm>> -> memref<1000000x16xf32, #tpu.memory_space<hbm>>
    tpu.wait_indirect_dma semaphore(%arg18 : memref<!tpu.dma_semaphore, #tpu.memory_space<semaphore_mem>>) src(%dma_wait3A_190 : memref<1000000x16xf32, #tpu.memory_space<hbm>>) dst(%dma_wait3A_184 : memref<128x16xf32, #tpu.memory_space<vmem>>)
    %dma_wait3A_191 = arith.constant 1 : i32
    %dma_wait3A_192 = arith.constant 128 : i32
    %dma_wait3A_193 = arith.constant 0 : i32
    %dma_wait3A_194 = tpu.memref_slice %arg13[%dma_wait3A_192, %dma_wait3A_193] : memref<512x16xf32, #tpu.memory_space<vmem>> -> memref<128x16xf32, #tpu.memory_space<vmem>>
    %dma_wait3A_195 = arith.constant 0 : i32
    %dma_wait3A_196 = tpu.memref_slice %arg11[%dma_wait3A_191, %dma_wait3A_195] : memref<4x128xi32, #tpu.memory_space<vmem>> -> memref<1x128xi32, #tpu.memory_space<vmem>>
    %dma_wait3A_197 = tpu.memref_squeeze %dma_wait3A_196 : memref<1x128xi32, #tpu.memory_space<vmem>> -> memref<128xi32, #tpu.memory_space<vmem>>
    %dma_wait3A_198 = arith.constant 0 : i32
    %dma_wait3A_199 = arith.constant 0 : i32
    %dma_wait3A_200 = tpu.memref_slice %arg6[%dma_wait3A_198, %dma_wait3A_199] : memref<1000000x16xf32, #tpu.memory_space<hbm>> -> memref<1000000x16xf32, #tpu.memory_space<hbm>>
    tpu.wait_indirect_dma semaphore(%arg18 : memref<!tpu.dma_semaphore, #tpu.memory_space<semaphore_mem>>) src(%dma_wait3A_200 : memref<1000000x16xf32, #tpu.memory_space<hbm>>) dst(%dma_wait3A_194 : memref<128x16xf32, #tpu.memory_space<vmem>>)
    %dma_wait3A_201 = arith.constant 1 : i32
    %dma_wait3A_202 = arith.constant 128 : i32
    %dma_wait3A_203 = tpu.memref_slice %arg14[%dma_wait3A_202] : memref<512xf32, #tpu.memory_space<vmem>> -> memref<128xf32, #tpu.memory_space<vmem>>
    %dma_wait3A_204 = arith.constant 0 : i32
    %dma_wait3A_205 = tpu.memref_slice %arg10[%dma_wait3A_201, %dma_wait3A_204] : memref<4x128xi32, #tpu.memory_space<vmem>> -> memref<1x128xi32, #tpu.memory_space<vmem>>
    %dma_wait3A_206 = tpu.memref_squeeze %dma_wait3A_205 : memref<1x128xi32, #tpu.memory_space<vmem>> -> memref<128xi32, #tpu.memory_space<vmem>>
    %dma_wait3A_207 = arith.constant 0 : i32
    %dma_wait3A_208 = tpu.memref_slice %arg5[%dma_wait3A_207] : memref<1000000xf32, #tpu.memory_space<hbm>> -> memref<1000000xf32, #tpu.memory_space<hbm>>
    tpu.wait_indirect_dma semaphore(%arg18 : memref<!tpu.dma_semaphore, #tpu.memory_space<semaphore_mem>>) src(%dma_wait3A_208 : memref<1000000xf32, #tpu.memory_space<hbm>>) dst(%dma_wait3A_203 : memref<128xf32, #tpu.memory_space<vmem>>)
    %dma_wait3A_209 = arith.constant 1 : i32
    %dma_wait3A_210 = arith.constant 128 : i32
    %dma_wait3A_211 = tpu.memref_slice %arg15[%dma_wait3A_210] : memref<512xf32, #tpu.memory_space<vmem>> -> memref<128xf32, #tpu.memory_space<vmem>>
    %dma_wait3A_212 = arith.constant 0 : i32
    %dma_wait3A_213 = tpu.memref_slice %arg11[%dma_wait3A_209, %dma_wait3A_212] : memref<4x128xi32, #tpu.memory_space<vmem>> -> memref<1x128xi32, #tpu.memory_space<vmem>>
    %dma_wait3A_214 = tpu.memref_squeeze %dma_wait3A_213 : memref<1x128xi32, #tpu.memory_space<vmem>> -> memref<128xi32, #tpu.memory_space<vmem>>
    %dma_wait3A_215 = arith.constant 0 : i32
    %dma_wait3A_216 = tpu.memref_slice %arg7[%dma_wait3A_215] : memref<1000000xf32, #tpu.memory_space<hbm>> -> memref<1000000xf32, #tpu.memory_space<hbm>>
    tpu.wait_indirect_dma semaphore(%arg18 : memref<!tpu.dma_semaphore, #tpu.memory_space<semaphore_mem>>) src(%dma_wait3A_216 : memref<1000000xf32, #tpu.memory_space<hbm>>) dst(%dma_wait3A_211 : memref<128xf32, #tpu.memory_space<vmem>>)
    %dma_wait3A_217 = arith.constant 2 : i32
    %dma_wait3A_218 = arith.constant 256 : i32
    %dma_wait3A_219 = arith.constant 0 : i32
    %dma_wait3A_220 = tpu.memref_slice %arg12[%dma_wait3A_218, %dma_wait3A_219] : memref<512x16xf32, #tpu.memory_space<vmem>> -> memref<128x16xf32, #tpu.memory_space<vmem>>
    %dma_wait3A_221 = arith.constant 0 : i32
    %dma_wait3A_222 = tpu.memref_slice %arg10[%dma_wait3A_217, %dma_wait3A_221] : memref<4x128xi32, #tpu.memory_space<vmem>> -> memref<1x128xi32, #tpu.memory_space<vmem>>
    %dma_wait3A_223 = tpu.memref_squeeze %dma_wait3A_222 : memref<1x128xi32, #tpu.memory_space<vmem>> -> memref<128xi32, #tpu.memory_space<vmem>>
    %dma_wait3A_224 = arith.constant 0 : i32
    %dma_wait3A_225 = arith.constant 0 : i32
    %dma_wait3A_226 = tpu.memref_slice %arg4[%dma_wait3A_224, %dma_wait3A_225] : memref<1000000x16xf32, #tpu.memory_space<hbm>> -> memref<1000000x16xf32, #tpu.memory_space<hbm>>
    tpu.wait_indirect_dma semaphore(%arg18 : memref<!tpu.dma_semaphore, #tpu.memory_space<semaphore_mem>>) src(%dma_wait3A_226 : memref<1000000x16xf32, #tpu.memory_space<hbm>>) dst(%dma_wait3A_220 : memref<128x16xf32, #tpu.memory_space<vmem>>)
    %dma_wait3A_227 = arith.constant 2 : i32
    %dma_wait3A_228 = arith.constant 256 : i32
    %dma_wait3A_229 = arith.constant 0 : i32
    %dma_wait3A_230 = tpu.memref_slice %arg13[%dma_wait3A_228, %dma_wait3A_229] : memref<512x16xf32, #tpu.memory_space<vmem>> -> memref<128x16xf32, #tpu.memory_space<vmem>>
    %dma_wait3A_231 = arith.constant 0 : i32
    %dma_wait3A_232 = tpu.memref_slice %arg11[%dma_wait3A_227, %dma_wait3A_231] : memref<4x128xi32, #tpu.memory_space<vmem>> -> memref<1x128xi32, #tpu.memory_space<vmem>>
    %dma_wait3A_233 = tpu.memref_squeeze %dma_wait3A_232 : memref<1x128xi32, #tpu.memory_space<vmem>> -> memref<128xi32, #tpu.memory_space<vmem>>
    %dma_wait3A_234 = arith.constant 0 : i32
    %dma_wait3A_235 = arith.constant 0 : i32
    %dma_wait3A_236 = tpu.memref_slice %arg6[%dma_wait3A_234, %dma_wait3A_235] : memref<1000000x16xf32, #tpu.memory_space<hbm>> -> memref<1000000x16xf32, #tpu.memory_space<hbm>>
    tpu.wait_indirect_dma semaphore(%arg18 : memref<!tpu.dma_semaphore, #tpu.memory_space<semaphore_mem>>) src(%dma_wait3A_236 : memref<1000000x16xf32, #tpu.memory_space<hbm>>) dst(%dma_wait3A_230 : memref<128x16xf32, #tpu.memory_space<vmem>>)
    %dma_wait3A_237 = arith.constant 2 : i32
    %dma_wait3A_238 = arith.constant 256 : i32
    %dma_wait3A_239 = tpu.memref_slice %arg14[%dma_wait3A_238] : memref<512xf32, #tpu.memory_space<vmem>> -> memref<128xf32, #tpu.memory_space<vmem>>
    %dma_wait3A_240 = arith.constant 0 : i32
    %dma_wait3A_241 = tpu.memref_slice %arg10[%dma_wait3A_237, %dma_wait3A_240] : memref<4x128xi32, #tpu.memory_space<vmem>> -> memref<1x128xi32, #tpu.memory_space<vmem>>
    %dma_wait3A_242 = tpu.memref_squeeze %dma_wait3A_241 : memref<1x128xi32, #tpu.memory_space<vmem>> -> memref<128xi32, #tpu.memory_space<vmem>>
    %dma_wait3A_243 = arith.constant 0 : i32
    %dma_wait3A_244 = tpu.memref_slice %arg5[%dma_wait3A_243] : memref<1000000xf32, #tpu.memory_space<hbm>> -> memref<1000000xf32, #tpu.memory_space<hbm>>
    tpu.wait_indirect_dma semaphore(%arg18 : memref<!tpu.dma_semaphore, #tpu.memory_space<semaphore_mem>>) src(%dma_wait3A_244 : memref<1000000xf32, #tpu.memory_space<hbm>>) dst(%dma_wait3A_239 : memref<128xf32, #tpu.memory_space<vmem>>)
    %dma_wait3A_245 = arith.constant 2 : i32
    %dma_wait3A_246 = arith.constant 256 : i32
    %dma_wait3A_247 = tpu.memref_slice %arg15[%dma_wait3A_246] : memref<512xf32, #tpu.memory_space<vmem>> -> memref<128xf32, #tpu.memory_space<vmem>>
    %dma_wait3A_248 = arith.constant 0 : i32
    %dma_wait3A_249 = tpu.memref_slice %arg11[%dma_wait3A_245, %dma_wait3A_248] : memref<4x128xi32, #tpu.memory_space<vmem>> -> memref<1x128xi32, #tpu.memory_space<vmem>>
    %dma_wait3A_250 = tpu.memref_squeeze %dma_wait3A_249 : memref<1x128xi32, #tpu.memory_space<vmem>> -> memref<128xi32, #tpu.memory_space<vmem>>
    %dma_wait3A_251 = arith.constant 0 : i32
    %dma_wait3A_252 = tpu.memref_slice %arg7[%dma_wait3A_251] : memref<1000000xf32, #tpu.memory_space<hbm>> -> memref<1000000xf32, #tpu.memory_space<hbm>>
    tpu.wait_indirect_dma semaphore(%arg18 : memref<!tpu.dma_semaphore, #tpu.memory_space<semaphore_mem>>) src(%dma_wait3A_252 : memref<1000000xf32, #tpu.memory_space<hbm>>) dst(%dma_wait3A_247 : memref<128xf32, #tpu.memory_space<vmem>>)
    %dma_wait3A_253 = arith.constant 3 : i32
    %dma_wait3A_254 = arith.constant 384 : i32
    %dma_wait3A_255 = arith.constant 0 : i32
    %dma_wait3A_256 = tpu.memref_slice %arg12[%dma_wait3A_254, %dma_wait3A_255] : memref<512x16xf32, #tpu.memory_space<vmem>> -> memref<128x16xf32, #tpu.memory_space<vmem>>
    %dma_wait3A_257 = arith.constant 0 : i32
    %dma_wait3A_258 = tpu.memref_slice %arg10[%dma_wait3A_253, %dma_wait3A_257] : memref<4x128xi32, #tpu.memory_space<vmem>> -> memref<1x128xi32, #tpu.memory_space<vmem>>
    %dma_wait3A_259 = tpu.memref_squeeze %dma_wait3A_258 : memref<1x128xi32, #tpu.memory_space<vmem>> -> memref<128xi32, #tpu.memory_space<vmem>>
    %dma_wait3A_260 = arith.constant 0 : i32
    %dma_wait3A_261 = arith.constant 0 : i32
    %dma_wait3A_262 = tpu.memref_slice %arg4[%dma_wait3A_260, %dma_wait3A_261] : memref<1000000x16xf32, #tpu.memory_space<hbm>> -> memref<1000000x16xf32, #tpu.memory_space<hbm>>
    tpu.wait_indirect_dma semaphore(%arg18 : memref<!tpu.dma_semaphore, #tpu.memory_space<semaphore_mem>>) src(%dma_wait3A_262 : memref<1000000x16xf32, #tpu.memory_space<hbm>>) dst(%dma_wait3A_256 : memref<128x16xf32, #tpu.memory_space<vmem>>)
    %dma_wait3A_263 = arith.constant 3 : i32
    %dma_wait3A_264 = arith.constant 384 : i32
    %dma_wait3A_265 = arith.constant 0 : i32
    %dma_wait3A_266 = tpu.memref_slice %arg13[%dma_wait3A_264, %dma_wait3A_265] : memref<512x16xf32, #tpu.memory_space<vmem>> -> memref<128x16xf32, #tpu.memory_space<vmem>>
    %dma_wait3A_267 = arith.constant 0 : i32
    %dma_wait3A_268 = tpu.memref_slice %arg11[%dma_wait3A_263, %dma_wait3A_267] : memref<4x128xi32, #tpu.memory_space<vmem>> -> memref<1x128xi32, #tpu.memory_space<vmem>>
    %dma_wait3A_269 = tpu.memref_squeeze %dma_wait3A_268 : memref<1x128xi32, #tpu.memory_space<vmem>> -> memref<128xi32, #tpu.memory_space<vmem>>
    %dma_wait3A_270 = arith.constant 0 : i32
    %dma_wait3A_271 = arith.constant 0 : i32
    %dma_wait3A_272 = tpu.memref_slice %arg6[%dma_wait3A_270, %dma_wait3A_271] : memref<1000000x16xf32, #tpu.memory_space<hbm>> -> memref<1000000x16xf32, #tpu.memory_space<hbm>>
    tpu.wait_indirect_dma semaphore(%arg18 : memref<!tpu.dma_semaphore, #tpu.memory_space<semaphore_mem>>) src(%dma_wait3A_272 : memref<1000000x16xf32, #tpu.memory_space<hbm>>) dst(%dma_wait3A_266 : memref<128x16xf32, #tpu.memory_space<vmem>>)
    %dma_wait3A_273 = arith.constant 3 : i32
    %dma_wait3A_274 = arith.constant 384 : i32
    %dma_wait3A_275 = tpu.memref_slice %arg14[%dma_wait3A_274] : memref<512xf32, #tpu.memory_space<vmem>> -> memref<128xf32, #tpu.memory_space<vmem>>
    %dma_wait3A_276 = arith.constant 0 : i32
    %dma_wait3A_277 = tpu.memref_slice %arg10[%dma_wait3A_273, %dma_wait3A_276] : memref<4x128xi32, #tpu.memory_space<vmem>> -> memref<1x128xi32, #tpu.memory_space<vmem>>
    %dma_wait3A_278 = tpu.memref_squeeze %dma_wait3A_277 : memref<1x128xi32, #tpu.memory_space<vmem>> -> memref<128xi32, #tpu.memory_space<vmem>>
    %dma_wait3A_279 = arith.constant 0 : i32
    %dma_wait3A_280 = tpu.memref_slice %arg5[%dma_wait3A_279] : memref<1000000xf32, #tpu.memory_space<hbm>> -> memref<1000000xf32, #tpu.memory_space<hbm>>
    tpu.wait_indirect_dma semaphore(%arg18 : memref<!tpu.dma_semaphore, #tpu.memory_space<semaphore_mem>>) src(%dma_wait3A_280 : memref<1000000xf32, #tpu.memory_space<hbm>>) dst(%dma_wait3A_275 : memref<128xf32, #tpu.memory_space<vmem>>)
    %dma_wait3A_281 = arith.constant 3 : i32
    %dma_wait3A_282 = arith.constant 384 : i32
    %dma_wait3A_283 = tpu.memref_slice %arg15[%dma_wait3A_282] : memref<512xf32, #tpu.memory_space<vmem>> -> memref<128xf32, #tpu.memory_space<vmem>>
    %dma_wait3A_284 = arith.constant 0 : i32
    %dma_wait3A_285 = tpu.memref_slice %arg11[%dma_wait3A_281, %dma_wait3A_284] : memref<4x128xi32, #tpu.memory_space<vmem>> -> memref<1x128xi32, #tpu.memory_space<vmem>>
    %dma_wait3A_286 = tpu.memref_squeeze %dma_wait3A_285 : memref<1x128xi32, #tpu.memory_space<vmem>> -> memref<128xi32, #tpu.memory_space<vmem>>
    %dma_wait3A_287 = arith.constant 0 : i32
    %dma_wait3A_288 = tpu.memref_slice %arg7[%dma_wait3A_287] : memref<1000000xf32, #tpu.memory_space<hbm>> -> memref<1000000xf32, #tpu.memory_space<hbm>>
    tpu.wait_indirect_dma semaphore(%arg18 : memref<!tpu.dma_semaphore, #tpu.memory_space<semaphore_mem>>) src(%dma_wait3A_288 : memref<1000000xf32, #tpu.memory_space<hbm>>) dst(%dma_wait3A_283 : memref<128xf32, #tpu.memory_space<vmem>>)
    %broadcast_in_dim3A = arith.constant 0.000000e+00 : f32
    %broadcast_in_dim3A_289 = vector.broadcast %broadcast_in_dim3A : f32 to vector<16xf32>
    %scan3A = arith.constant 0 : i32
    %scan3A_290 = arith.constant 512 : i32
    %scan3A_291 = arith.addi %scan3A, %scan3A_290 : i32
    %scan3A_292 = arith.constant 1 : i32
    %scan3A_293 = scf.for %scan3A_649 = %scan3A to %scan3A_291 step %scan3A_292 iter_args(%scan3A_650 = %broadcast_in_dim3A_289) -> (vector<16xf32>)  : i32 {
      %get3A_651 = arith.index_cast %scan3A_649 : i32 to index
      %get3A_652 = arith.constant 0 : index
      %get3A_653 = tpu.vector_load %arg12[%get3A_651, %get3A_652] {strides = array<i32>} : memref<512x16xf32, #tpu.memory_space<vmem>>, vector<1x16xf32>,
      %get3A_654 = vector.shape_cast %get3A_653 : vector<1x16xf32> to vector<16xf32>
      %get3A_655 = arith.index_cast %scan3A_649 : i32 to index
      %get3A_656 = arith.constant 0 : index
      %get3A_657 = tpu.vector_load %arg13[%get3A_655, %get3A_656] {strides = array<i32>} : memref<512x16xf32, #tpu.memory_space<vmem>>, vector<1x16xf32>,
      %get3A_658 = vector.shape_cast %get3A_657 : vector<1x16xf32> to vector<16xf32>
      %mul3A_659 = arith.mulf %get3A_654, %get3A_658 : vector<16xf32>
      %add3A_660 = arith.addf %scan3A_650, %mul3A_659 : vector<16xf32>
      scf.yield %add3A_660 : vector<16xf32>
    }
    %scan3A_294 = arith.constant 512 : i32
    %swap3A = arith.constant 0 : index
    %swap3A_295 = tpu.vector_load %arg16[%swap3A] {strides = array<i32>} : memref<16xf32, #tpu.memory_space<vmem>>, vector<16xf32>,
    %swap3A_296 = vector.shape_cast %swap3A_295 : vector<16xf32> to vector<16xf32>
    %swap3A_297 = vector.shape_cast %scan3A_293 : vector<16xf32> to vector<16xf32>
    tpu.vector_store %arg16[%swap3A], %swap3A_297 {strides = array<i32>} : memref<16xf32, #tpu.memory_space<vmem>>, vector<16xf32>,
    "tpu.region"() ({
      %run_scoped3A = tpu.sem_alloc : memref<!tpu.dma_semaphore, #tpu.memory_space<semaphore_mem>>
      %dma_start3A_649 = arith.constant 0 : i32
      %dma_start3A_650 = tpu.memref_slice %arg8[%add3A, %dma_start3A_649] : memref<32x16xf32, #tpu.memory_space<hbm>> -> memref<1x16xf32, #tpu.memory_space<hbm>>
      %dma_start3A_651 = tpu.memref_squeeze %dma_start3A_650 : memref<1x16xf32, #tpu.memory_space<hbm>> -> memref<16xf32, #tpu.memory_space<hbm>>
      %dma_start3A_652 = arith.constant 0 : i32
      %dma_start3A_653 = tpu.memref_slice %arg8[%add3A, %dma_start3A_652] : memref<32x16xf32, #tpu.memory_space<hbm>> -> memref<1x16xf32, #tpu.memory_space<hbm>>
      %dma_start3A_654 = tpu.memref_squeeze %dma_start3A_653 : memref<1x16xf32, #tpu.memory_space<hbm>> -> memref<16xf32, #tpu.memory_space<hbm>>
      tpu.enqueue_dma source(%arg16 : memref<16xf32, #tpu.memory_space<vmem>>) target(%dma_start3A_654 : memref<16xf32, #tpu.memory_space<hbm>>) target_semaphore(%run_scoped3A : memref<!tpu.dma_semaphore, #tpu.memory_space<semaphore_mem>>)
      %dma_wait3A_655 = arith.constant 0 : i32
      %dma_wait3A_656 = tpu.memref_slice %arg8[%add3A, %dma_wait3A_655] : memref<32x16xf32, #tpu.memory_space<hbm>> -> memref<1x16xf32, #tpu.memory_space<hbm>>
      %dma_wait3A_657 = tpu.memref_squeeze %dma_wait3A_656 : memref<1x16xf32, #tpu.memory_space<hbm>> -> memref<16xf32, #tpu.memory_space<hbm>>
      %dma_wait3A_658 = arith.constant 0 : i32
      %dma_wait3A_659 = tpu.memref_slice %arg8[%add3A, %dma_wait3A_658] : memref<32x16xf32, #tpu.memory_space<hbm>> -> memref<1x16xf32, #tpu.memory_space<hbm>>
      %dma_wait3A_660 = tpu.memref_squeeze %dma_wait3A_659 : memref<1x16xf32, #tpu.memory_space<hbm>> -> memref<16xf32, #tpu.memory_space<hbm>>
      tpu.wait_dma2 semaphore(%run_scoped3A : memref<!tpu.dma_semaphore, #tpu.memory_space<semaphore_mem>>) src(%arg16 : memref<16xf32, #tpu.memory_space<vmem>>) dst(%dma_wait3A_660 : memref<16xf32, #tpu.memory_space<hbm>>)
      tpu.yield
    }) : () -> ()
    %get3A = arith.constant 0 : index
    %get3A_298 = tpu.vector_load %arg14[%get3A] {strides = array<i32>} : memref<512xf32, #tpu.memory_space<vmem>>, vector<16xf32>,
    %get3A_299 = vector.shape_cast %get3A_298 : vector<16xf32> to vector<16xf32>
    %get3A_300 = arith.constant 0 : index
    %get3A_301 = tpu.vector_load %arg15[%get3A_300] {strides = array<i32>} : memref<512xf32, #tpu.memory_space<vmem>>, vector<16xf32>,
    %get3A_302 = vector.shape_cast %get3A_301 : vector<16xf32> to vector<16xf32>
    %add3A_303 = arith.addf %get3A_299, %get3A_302 : vector<16xf32>
    %swap3A_304 = arith.constant 0 : index
    %swap3A_305 = tpu.vector_load %arg17[%swap3A_304] {strides = array<i32>} : memref<512xf32, #tpu.memory_space<vmem>>, vector<16xf32>,
    %swap3A_306 = vector.shape_cast %swap3A_305 : vector<16xf32> to vector<16xf32>
    %swap3A_307 = vector.shape_cast %add3A_303 : vector<16xf32> to vector<16xf32>
    tpu.vector_store %arg17[%swap3A_304], %swap3A_307 {strides = array<i32>} : memref<512xf32, #tpu.memory_space<vmem>>, vector<16xf32>,
    %get3A_308 = arith.constant 16 : index
    %get3A_309 = tpu.vector_load %arg14[%get3A_308] {strides = array<i32>} : memref<512xf32, #tpu.memory_space<vmem>>, vector<16xf32>,
    %get3A_310 = vector.shape_cast %get3A_309 : vector<16xf32> to vector<16xf32>
    %get3A_311 = arith.constant 16 : index
    %get3A_312 = tpu.vector_load %arg15[%get3A_311] {strides = array<i32>} : memref<512xf32, #tpu.memory_space<vmem>>, vector<16xf32>,
    %get3A_313 = vector.shape_cast %get3A_312 : vector<16xf32> to vector<16xf32>
    %add3A_314 = arith.addf %get3A_310, %get3A_313 : vector<16xf32>
    %swap3A_315 = arith.constant 16 : index
    %swap3A_316 = tpu.vector_load %arg17[%swap3A_315] {strides = array<i32>} : memref<512xf32, #tpu.memory_space<vmem>>, vector<16xf32>,
    %swap3A_317 = vector.shape_cast %swap3A_316 : vector<16xf32> to vector<16xf32>
    %swap3A_318 = vector.shape_cast %add3A_314 : vector<16xf32> to vector<16xf32>
    tpu.vector_store %arg17[%swap3A_315], %swap3A_318 {strides = array<i32>} : memref<512xf32, #tpu.memory_space<vmem>>, vector<16xf32>,
    %get3A_319 = arith.constant 32 : index
    %get3A_320 = tpu.vector_load %arg14[%get3A_319] {strides = array<i32>} : memref<512xf32, #tpu.memory_space<vmem>>, vector<16xf32>,
    %get3A_321 = vector.shape_cast %get3A_320 : vector<16xf32> to vector<16xf32>
    %get3A_322 = arith.constant 32 : index
    %get3A_323 = tpu.vector_load %arg15[%get3A_322] {strides = array<i32>} : memref<512xf32, #tpu.memory_space<vmem>>, vector<16xf32>,
    %get3A_324 = vector.shape_cast %get3A_323 : vector<16xf32> to vector<16xf32>
    %add3A_325 = arith.addf %get3A_321, %get3A_324 : vector<16xf32>
    %swap3A_326 = arith.constant 32 : index
    %swap3A_327 = tpu.vector_load %arg17[%swap3A_326] {strides = array<i32>} : memref<512xf32, #tpu.memory_space<vmem>>, vector<16xf32>,
    %swap3A_328 = vector.shape_cast %swap3A_327 : vector<16xf32> to vector<16xf32>
    %swap3A_329 = vector.shape_cast %add3A_325 : vector<16xf32> to vector<16xf32>
    tpu.vector_store %arg17[%swap3A_326], %swap3A_329 {strides = array<i32>} : memref<512xf32, #tpu.memory_space<vmem>>, vector<16xf32>,
    %get3A_330 = arith.constant 48 : index
    %get3A_331 = tpu.vector_load %arg14[%get3A_330] {strides = array<i32>} : memref<512xf32, #tpu.memory_space<vmem>>, vector<16xf32>,
    %get3A_332 = vector.shape_cast %get3A_331 : vector<16xf32> to vector<16xf32>
    %get3A_333 = arith.constant 48 : index
    %get3A_334 = tpu.vector_load %arg15[%get3A_333] {strides = array<i32>} : memref<512xf32, #tpu.memory_space<vmem>>, vector<16xf32>,
    %get3A_335 = vector.shape_cast %get3A_334 : vector<16xf32> to vector<16xf32>
    %add3A_336 = arith.addf %get3A_332, %get3A_335 : vector<16xf32>
    %swap3A_337 = arith.constant 48 : index
    %swap3A_338 = tpu.vector_load %arg17[%swap3A_337] {strides = array<i32>} : memref<512xf32, #tpu.memory_space<vmem>>, vector<16xf32>,
    %swap3A_339 = vector.shape_cast %swap3A_338 : vector<16xf32> to vector<16xf32>
    %swap3A_340 = vector.shape_cast %add3A_336 : vector<16xf32> to vector<16xf32>
    tpu.vector_store %arg17[%swap3A_337], %swap3A_340 {strides = array<i32>} : memref<512xf32, #tpu.memory_space<vmem>>, vector<16xf32>,
    %get3A_341 = arith.constant 64 : index
    %get3A_342 = tpu.vector_load %arg14[%get3A_341] {strides = array<i32>} : memref<512xf32, #tpu.memory_space<vmem>>, vector<16xf32>,
    %get3A_343 = vector.shape_cast %get3A_342 : vector<16xf32> to vector<16xf32>
    %get3A_344 = arith.constant 64 : index
    %get3A_345 = tpu.vector_load %arg15[%get3A_344] {strides = array<i32>} : memref<512xf32, #tpu.memory_space<vmem>>, vector<16xf32>,
    %get3A_346 = vector.shape_cast %get3A_345 : vector<16xf32> to vector<16xf32>
    %add3A_347 = arith.addf %get3A_343, %get3A_346 : vector<16xf32>
    %swap3A_348 = arith.constant 64 : index
    %swap3A_349 = tpu.vector_load %arg17[%swap3A_348] {strides = array<i32>} : memref<512xf32, #tpu.memory_space<vmem>>, vector<16xf32>,
    %swap3A_350 = vector.shape_cast %swap3A_349 : vector<16xf32> to vector<16xf32>
    %swap3A_351 = vector.shape_cast %add3A_347 : vector<16xf32> to vector<16xf32>
    tpu.vector_store %arg17[%swap3A_348], %swap3A_351 {strides = array<i32>} : memref<512xf32, #tpu.memory_space<vmem>>, vector<16xf32>,
    %get3A_352 = arith.constant 80 : index
    %get3A_353 = tpu.vector_load %arg14[%get3A_352] {strides = array<i32>} : memref<512xf32, #tpu.memory_space<vmem>>, vector<16xf32>,
    %get3A_354 = vector.shape_cast %get3A_353 : vector<16xf32> to vector<16xf32>
    %get3A_355 = arith.constant 80 : index
    %get3A_356 = tpu.vector_load %arg15[%get3A_355] {strides = array<i32>} : memref<512xf32, #tpu.memory_space<vmem>>, vector<16xf32>,
    %get3A_357 = vector.shape_cast %get3A_356 : vector<16xf32> to vector<16xf32>
    %add3A_358 = arith.addf %get3A_354, %get3A_357 : vector<16xf32>
    %swap3A_359 = arith.constant 80 : index
    %swap3A_360 = tpu.vector_load %arg17[%swap3A_359] {strides = array<i32>} : memref<512xf32, #tpu.memory_space<vmem>>, vector<16xf32>,
    %swap3A_361 = vector.shape_cast %swap3A_360 : vector<16xf32> to vector<16xf32>
    %swap3A_362 = vector.shape_cast %add3A_358 : vector<16xf32> to vector<16xf32>
    tpu.vector_store %arg17[%swap3A_359], %swap3A_362 {strides = array<i32>} : memref<512xf32, #tpu.memory_space<vmem>>, vector<16xf32>,
    %get3A_363 = arith.constant 96 : index
    %get3A_364 = tpu.vector_load %arg14[%get3A_363] {strides = array<i32>} : memref<512xf32, #tpu.memory_space<vmem>>, vector<16xf32>,
    %get3A_365 = vector.shape_cast %get3A_364 : vector<16xf32> to vector<16xf32>
    %get3A_366 = arith.constant 96 : index
    %get3A_367 = tpu.vector_load %arg15[%get3A_366] {strides = array<i32>} : memref<512xf32, #tpu.memory_space<vmem>>, vector<16xf32>,
    %get3A_368 = vector.shape_cast %get3A_367 : vector<16xf32> to vector<16xf32>
    %add3A_369 = arith.addf %get3A_365, %get3A_368 : vector<16xf32>
    %swap3A_370 = arith.constant 96 : index
    %swap3A_371 = tpu.vector_load %arg17[%swap3A_370] {strides = array<i32>} : memref<512xf32, #tpu.memory_space<vmem>>, vector<16xf32>,
    %swap3A_372 = vector.shape_cast %swap3A_371 : vector<16xf32> to vector<16xf32>
    %swap3A_373 = vector.shape_cast %add3A_369 : vector<16xf32> to vector<16xf32>
    tpu.vector_store %arg17[%swap3A_370], %swap3A_373 {strides = array<i32>} : memref<512xf32, #tpu.memory_space<vmem>>, vector<16xf32>,
    %get3A_374 = arith.constant 112 : index
    %get3A_375 = tpu.vector_load %arg14[%get3A_374] {strides = array<i32>} : memref<512xf32, #tpu.memory_space<vmem>>, vector<16xf32>,
    %get3A_376 = vector.shape_cast %get3A_375 : vector<16xf32> to vector<16xf32>
    %get3A_377 = arith.constant 112 : index
    %get3A_378 = tpu.vector_load %arg15[%get3A_377] {strides = array<i32>} : memref<512xf32, #tpu.memory_space<vmem>>, vector<16xf32>,
    %get3A_379 = vector.shape_cast %get3A_378 : vector<16xf32> to vector<16xf32>
    %add3A_380 = arith.addf %get3A_376, %get3A_379 : vector<16xf32>
    %swap3A_381 = arith.constant 112 : index
    %swap3A_382 = tpu.vector_load %arg17[%swap3A_381] {strides = array<i32>} : memref<512xf32, #tpu.memory_space<vmem>>, vector<16xf32>,
    %swap3A_383 = vector.shape_cast %swap3A_382 : vector<16xf32> to vector<16xf32>
    %swap3A_384 = vector.shape_cast %add3A_380 : vector<16xf32> to vector<16xf32>
    tpu.vector_store %arg17[%swap3A_381], %swap3A_384 {strides = array<i32>} : memref<512xf32, #tpu.memory_space<vmem>>, vector<16xf32>,
    %get3A_385 = arith.constant 128 : index
    %get3A_386 = tpu.vector_load %arg14[%get3A_385] {strides = array<i32>} : memref<512xf32, #tpu.memory_space<vmem>>, vector<16xf32>,
    %get3A_387 = vector.shape_cast %get3A_386 : vector<16xf32> to vector<16xf32>
    %get3A_388 = arith.constant 128 : index
    %get3A_389 = tpu.vector_load %arg15[%get3A_388] {strides = array<i32>} : memref<512xf32, #tpu.memory_space<vmem>>, vector<16xf32>,
    %get3A_390 = vector.shape_cast %get3A_389 : vector<16xf32> to vector<16xf32>
    %add3A_391 = arith.addf %get3A_387, %get3A_390 : vector<16xf32>
    %swap3A_392 = arith.constant 128 : index
    %swap3A_393 = tpu.vector_load %arg17[%swap3A_392] {strides = array<i32>} : memref<512xf32, #tpu.memory_space<vmem>>, vector<16xf32>,
    %swap3A_394 = vector.shape_cast %swap3A_393 : vector<16xf32> to vector<16xf32>
    %swap3A_395 = vector.shape_cast %add3A_391 : vector<16xf32> to vector<16xf32>
    tpu.vector_store %arg17[%swap3A_392], %swap3A_395 {strides = array<i32>} : memref<512xf32, #tpu.memory_space<vmem>>, vector<16xf32>,
    %get3A_396 = arith.constant 144 : index
    %get3A_397 = tpu.vector_load %arg14[%get3A_396] {strides = array<i32>} : memref<512xf32, #tpu.memory_space<vmem>>, vector<16xf32>,
    %get3A_398 = vector.shape_cast %get3A_397 : vector<16xf32> to vector<16xf32>
    %get3A_399 = arith.constant 144 : index
    %get3A_400 = tpu.vector_load %arg15[%get3A_399] {strides = array<i32>} : memref<512xf32, #tpu.memory_space<vmem>>, vector<16xf32>,
    %get3A_401 = vector.shape_cast %get3A_400 : vector<16xf32> to vector<16xf32>
    %add3A_402 = arith.addf %get3A_398, %get3A_401 : vector<16xf32>
    %swap3A_403 = arith.constant 144 : index
    %swap3A_404 = tpu.vector_load %arg17[%swap3A_403] {strides = array<i32>} : memref<512xf32, #tpu.memory_space<vmem>>, vector<16xf32>,
    %swap3A_405 = vector.shape_cast %swap3A_404 : vector<16xf32> to vector<16xf32>
    %swap3A_406 = vector.shape_cast %add3A_402 : vector<16xf32> to vector<16xf32>
    tpu.vector_store %arg17[%swap3A_403], %swap3A_406 {strides = array<i32>} : memref<512xf32, #tpu.memory_space<vmem>>, vector<16xf32>,
    %get3A_407 = arith.constant 160 : index
    %get3A_408 = tpu.vector_load %arg14[%get3A_407] {strides = array<i32>} : memref<512xf32, #tpu.memory_space<vmem>>, vector<16xf32>,
    %get3A_409 = vector.shape_cast %get3A_408 : vector<16xf32> to vector<16xf32>
    %get3A_410 = arith.constant 160 : index
    %get3A_411 = tpu.vector_load %arg15[%get3A_410] {strides = array<i32>} : memref<512xf32, #tpu.memory_space<vmem>>, vector<16xf32>,
    %get3A_412 = vector.shape_cast %get3A_411 : vector<16xf32> to vector<16xf32>
    %add3A_413 = arith.addf %get3A_409, %get3A_412 : vector<16xf32>
    %swap3A_414 = arith.constant 160 : index
    %swap3A_415 = tpu.vector_load %arg17[%swap3A_414] {strides = array<i32>} : memref<512xf32, #tpu.memory_space<vmem>>, vector<16xf32>,
    %swap3A_416 = vector.shape_cast %swap3A_415 : vector<16xf32> to vector<16xf32>
    %swap3A_417 = vector.shape_cast %add3A_413 : vector<16xf32> to vector<16xf32>
    tpu.vector_store %arg17[%swap3A_414], %swap3A_417 {strides = array<i32>} : memref<512xf32, #tpu.memory_space<vmem>>, vector<16xf32>,
    %get3A_418 = arith.constant 176 : index
    %get3A_419 = tpu.vector_load %arg14[%get3A_418] {strides = array<i32>} : memref<512xf32, #tpu.memory_space<vmem>>, vector<16xf32>,
    %get3A_420 = vector.shape_cast %get3A_419 : vector<16xf32> to vector<16xf32>
    %get3A_421 = arith.constant 176 : index
    %get3A_422 = tpu.vector_load %arg15[%get3A_421] {strides = array<i32>} : memref<512xf32, #tpu.memory_space<vmem>>, vector<16xf32>,
    %get3A_423 = vector.shape_cast %get3A_422 : vector<16xf32> to vector<16xf32>
    %add3A_424 = arith.addf %get3A_420, %get3A_423 : vector<16xf32>
    %swap3A_425 = arith.constant 176 : index
    %swap3A_426 = tpu.vector_load %arg17[%swap3A_425] {strides = array<i32>} : memref<512xf32, #tpu.memory_space<vmem>>, vector<16xf32>,
    %swap3A_427 = vector.shape_cast %swap3A_426 : vector<16xf32> to vector<16xf32>
    %swap3A_428 = vector.shape_cast %add3A_424 : vector<16xf32> to vector<16xf32>
    tpu.vector_store %arg17[%swap3A_425], %swap3A_428 {strides = array<i32>} : memref<512xf32, #tpu.memory_space<vmem>>, vector<16xf32>,
    %get3A_429 = arith.constant 192 : index
    %get3A_430 = tpu.vector_load %arg14[%get3A_429] {strides = array<i32>} : memref<512xf32, #tpu.memory_space<vmem>>, vector<16xf32>,
    %get3A_431 = vector.shape_cast %get3A_430 : vector<16xf32> to vector<16xf32>
    %get3A_432 = arith.constant 192 : index
    %get3A_433 = tpu.vector_load %arg15[%get3A_432] {strides = array<i32>} : memref<512xf32, #tpu.memory_space<vmem>>, vector<16xf32>,
    %get3A_434 = vector.shape_cast %get3A_433 : vector<16xf32> to vector<16xf32>
    %add3A_435 = arith.addf %get3A_431, %get3A_434 : vector<16xf32>
    %swap3A_436 = arith.constant 192 : index
    %swap3A_437 = tpu.vector_load %arg17[%swap3A_436] {strides = array<i32>} : memref<512xf32, #tpu.memory_space<vmem>>, vector<16xf32>,
    %swap3A_438 = vector.shape_cast %swap3A_437 : vector<16xf32> to vector<16xf32>
    %swap3A_439 = vector.shape_cast %add3A_435 : vector<16xf32> to vector<16xf32>
    tpu.vector_store %arg17[%swap3A_436], %swap3A_439 {strides = array<i32>} : memref<512xf32, #tpu.memory_space<vmem>>, vector<16xf32>,
    %get3A_440 = arith.constant 208 : index
    %get3A_441 = tpu.vector_load %arg14[%get3A_440] {strides = array<i32>} : memref<512xf32, #tpu.memory_space<vmem>>, vector<16xf32>,
    %get3A_442 = vector.shape_cast %get3A_441 : vector<16xf32> to vector<16xf32>
    %get3A_443 = arith.constant 208 : index
    %get3A_444 = tpu.vector_load %arg15[%get3A_443] {strides = array<i32>} : memref<512xf32, #tpu.memory_space<vmem>>, vector<16xf32>,
    %get3A_445 = vector.shape_cast %get3A_444 : vector<16xf32> to vector<16xf32>
    %add3A_446 = arith.addf %get3A_442, %get3A_445 : vector<16xf32>
    %swap3A_447 = arith.constant 208 : index
    %swap3A_448 = tpu.vector_load %arg17[%swap3A_447] {strides = array<i32>} : memref<512xf32, #tpu.memory_space<vmem>>, vector<16xf32>,
    %swap3A_449 = vector.shape_cast %swap3A_448 : vector<16xf32> to vector<16xf32>
    %swap3A_450 = vector.shape_cast %add3A_446 : vector<16xf32> to vector<16xf32>
    tpu.vector_store %arg17[%swap3A_447], %swap3A_450 {strides = array<i32>} : memref<512xf32, #tpu.memory_space<vmem>>, vector<16xf32>,
    %get3A_451 = arith.constant 224 : index
    %get3A_452 = tpu.vector_load %arg14[%get3A_451] {strides = array<i32>} : memref<512xf32, #tpu.memory_space<vmem>>, vector<16xf32>,
    %get3A_453 = vector.shape_cast %get3A_452 : vector<16xf32> to vector<16xf32>
    %get3A_454 = arith.constant 224 : index
    %get3A_455 = tpu.vector_load %arg15[%get3A_454] {strides = array<i32>} : memref<512xf32, #tpu.memory_space<vmem>>, vector<16xf32>,
    %get3A_456 = vector.shape_cast %get3A_455 : vector<16xf32> to vector<16xf32>
    %add3A_457 = arith.addf %get3A_453, %get3A_456 : vector<16xf32>
    %swap3A_458 = arith.constant 224 : index
    %swap3A_459 = tpu.vector_load %arg17[%swap3A_458] {strides = array<i32>} : memref<512xf32, #tpu.memory_space<vmem>>, vector<16xf32>,
    %swap3A_460 = vector.shape_cast %swap3A_459 : vector<16xf32> to vector<16xf32>
    %swap3A_461 = vector.shape_cast %add3A_457 : vector<16xf32> to vector<16xf32>
    tpu.vector_store %arg17[%swap3A_458], %swap3A_461 {strides = array<i32>} : memref<512xf32, #tpu.memory_space<vmem>>, vector<16xf32>,
    %get3A_462 = arith.constant 240 : index
    %get3A_463 = tpu.vector_load %arg14[%get3A_462] {strides = array<i32>} : memref<512xf32, #tpu.memory_space<vmem>>, vector<16xf32>,
    %get3A_464 = vector.shape_cast %get3A_463 : vector<16xf32> to vector<16xf32>
    %get3A_465 = arith.constant 240 : index
    %get3A_466 = tpu.vector_load %arg15[%get3A_465] {strides = array<i32>} : memref<512xf32, #tpu.memory_space<vmem>>, vector<16xf32>,
    %get3A_467 = vector.shape_cast %get3A_466 : vector<16xf32> to vector<16xf32>
    %add3A_468 = arith.addf %get3A_464, %get3A_467 : vector<16xf32>
    %swap3A_469 = arith.constant 240 : index
    %swap3A_470 = tpu.vector_load %arg17[%swap3A_469] {strides = array<i32>} : memref<512xf32, #tpu.memory_space<vmem>>, vector<16xf32>,
    %swap3A_471 = vector.shape_cast %swap3A_470 : vector<16xf32> to vector<16xf32>
    %swap3A_472 = vector.shape_cast %add3A_468 : vector<16xf32> to vector<16xf32>
    tpu.vector_store %arg17[%swap3A_469], %swap3A_472 {strides = array<i32>} : memref<512xf32, #tpu.memory_space<vmem>>, vector<16xf32>,
    %get3A_473 = arith.constant 256 : index
    %get3A_474 = tpu.vector_load %arg14[%get3A_473] {strides = array<i32>} : memref<512xf32, #tpu.memory_space<vmem>>, vector<16xf32>,
    %get3A_475 = vector.shape_cast %get3A_474 : vector<16xf32> to vector<16xf32>
    %get3A_476 = arith.constant 256 : index
    %get3A_477 = tpu.vector_load %arg15[%get3A_476] {strides = array<i32>} : memref<512xf32, #tpu.memory_space<vmem>>, vector<16xf32>,
    %get3A_478 = vector.shape_cast %get3A_477 : vector<16xf32> to vector<16xf32>
    %add3A_479 = arith.addf %get3A_475, %get3A_478 : vector<16xf32>
    %swap3A_480 = arith.constant 256 : index
    %swap3A_481 = tpu.vector_load %arg17[%swap3A_480] {strides = array<i32>} : memref<512xf32, #tpu.memory_space<vmem>>, vector<16xf32>,
    %swap3A_482 = vector.shape_cast %swap3A_481 : vector<16xf32> to vector<16xf32>
    %swap3A_483 = vector.shape_cast %add3A_479 : vector<16xf32> to vector<16xf32>
    tpu.vector_store %arg17[%swap3A_480], %swap3A_483 {strides = array<i32>} : memref<512xf32, #tpu.memory_space<vmem>>, vector<16xf32>,
    %get3A_484 = arith.constant 272 : index
    %get3A_485 = tpu.vector_load %arg14[%get3A_484] {strides = array<i32>} : memref<512xf32, #tpu.memory_space<vmem>>, vector<16xf32>,
    %get3A_486 = vector.shape_cast %get3A_485 : vector<16xf32> to vector<16xf32>
    %get3A_487 = arith.constant 272 : index
    %get3A_488 = tpu.vector_load %arg15[%get3A_487] {strides = array<i32>} : memref<512xf32, #tpu.memory_space<vmem>>, vector<16xf32>,
    %get3A_489 = vector.shape_cast %get3A_488 : vector<16xf32> to vector<16xf32>
    %add3A_490 = arith.addf %get3A_486, %get3A_489 : vector<16xf32>
    %swap3A_491 = arith.constant 272 : index
    %swap3A_492 = tpu.vector_load %arg17[%swap3A_491] {strides = array<i32>} : memref<512xf32, #tpu.memory_space<vmem>>, vector<16xf32>,
    %swap3A_493 = vector.shape_cast %swap3A_492 : vector<16xf32> to vector<16xf32>
    %swap3A_494 = vector.shape_cast %add3A_490 : vector<16xf32> to vector<16xf32>
    tpu.vector_store %arg17[%swap3A_491], %swap3A_494 {strides = array<i32>} : memref<512xf32, #tpu.memory_space<vmem>>, vector<16xf32>,
    %get3A_495 = arith.constant 288 : index
    %get3A_496 = tpu.vector_load %arg14[%get3A_495] {strides = array<i32>} : memref<512xf32, #tpu.memory_space<vmem>>, vector<16xf32>,
    %get3A_497 = vector.shape_cast %get3A_496 : vector<16xf32> to vector<16xf32>
    %get3A_498 = arith.constant 288 : index
    %get3A_499 = tpu.vector_load %arg15[%get3A_498] {strides = array<i32>} : memref<512xf32, #tpu.memory_space<vmem>>, vector<16xf32>,
    %get3A_500 = vector.shape_cast %get3A_499 : vector<16xf32> to vector<16xf32>
    %add3A_501 = arith.addf %get3A_497, %get3A_500 : vector<16xf32>
    %swap3A_502 = arith.constant 288 : index
    %swap3A_503 = tpu.vector_load %arg17[%swap3A_502] {strides = array<i32>} : memref<512xf32, #tpu.memory_space<vmem>>, vector<16xf32>,
    %swap3A_504 = vector.shape_cast %swap3A_503 : vector<16xf32> to vector<16xf32>
    %swap3A_505 = vector.shape_cast %add3A_501 : vector<16xf32> to vector<16xf32>
    tpu.vector_store %arg17[%swap3A_502], %swap3A_505 {strides = array<i32>} : memref<512xf32, #tpu.memory_space<vmem>>, vector<16xf32>,
    %get3A_506 = arith.constant 304 : index
    %get3A_507 = tpu.vector_load %arg14[%get3A_506] {strides = array<i32>} : memref<512xf32, #tpu.memory_space<vmem>>, vector<16xf32>,
    %get3A_508 = vector.shape_cast %get3A_507 : vector<16xf32> to vector<16xf32>
    %get3A_509 = arith.constant 304 : index
    %get3A_510 = tpu.vector_load %arg15[%get3A_509] {strides = array<i32>} : memref<512xf32, #tpu.memory_space<vmem>>, vector<16xf32>,
    %get3A_511 = vector.shape_cast %get3A_510 : vector<16xf32> to vector<16xf32>
    %add3A_512 = arith.addf %get3A_508, %get3A_511 : vector<16xf32>
    %swap3A_513 = arith.constant 304 : index
    %swap3A_514 = tpu.vector_load %arg17[%swap3A_513] {strides = array<i32>} : memref<512xf32, #tpu.memory_space<vmem>>, vector<16xf32>,
    %swap3A_515 = vector.shape_cast %swap3A_514 : vector<16xf32> to vector<16xf32>
    %swap3A_516 = vector.shape_cast %add3A_512 : vector<16xf32> to vector<16xf32>
    tpu.vector_store %arg17[%swap3A_513], %swap3A_516 {strides = array<i32>} : memref<512xf32, #tpu.memory_space<vmem>>, vector<16xf32>,
    %get3A_517 = arith.constant 320 : index
    %get3A_518 = tpu.vector_load %arg14[%get3A_517] {strides = array<i32>} : memref<512xf32, #tpu.memory_space<vmem>>, vector<16xf32>,
    %get3A_519 = vector.shape_cast %get3A_518 : vector<16xf32> to vector<16xf32>
    %get3A_520 = arith.constant 320 : index
    %get3A_521 = tpu.vector_load %arg15[%get3A_520] {strides = array<i32>} : memref<512xf32, #tpu.memory_space<vmem>>, vector<16xf32>,
    %get3A_522 = vector.shape_cast %get3A_521 : vector<16xf32> to vector<16xf32>
    %add3A_523 = arith.addf %get3A_519, %get3A_522 : vector<16xf32>
    %swap3A_524 = arith.constant 320 : index
    %swap3A_525 = tpu.vector_load %arg17[%swap3A_524] {strides = array<i32>} : memref<512xf32, #tpu.memory_space<vmem>>, vector<16xf32>,
    %swap3A_526 = vector.shape_cast %swap3A_525 : vector<16xf32> to vector<16xf32>
    %swap3A_527 = vector.shape_cast %add3A_523 : vector<16xf32> to vector<16xf32>
    tpu.vector_store %arg17[%swap3A_524], %swap3A_527 {strides = array<i32>} : memref<512xf32, #tpu.memory_space<vmem>>, vector<16xf32>,
    %get3A_528 = arith.constant 336 : index
    %get3A_529 = tpu.vector_load %arg14[%get3A_528] {strides = array<i32>} : memref<512xf32, #tpu.memory_space<vmem>>, vector<16xf32>,
    %get3A_530 = vector.shape_cast %get3A_529 : vector<16xf32> to vector<16xf32>
    %get3A_531 = arith.constant 336 : index
    %get3A_532 = tpu.vector_load %arg15[%get3A_531] {strides = array<i32>} : memref<512xf32, #tpu.memory_space<vmem>>, vector<16xf32>,
    %get3A_533 = vector.shape_cast %get3A_532 : vector<16xf32> to vector<16xf32>
    %add3A_534 = arith.addf %get3A_530, %get3A_533 : vector<16xf32>
    %swap3A_535 = arith.constant 336 : index
    %swap3A_536 = tpu.vector_load %arg17[%swap3A_535] {strides = array<i32>} : memref<512xf32, #tpu.memory_space<vmem>>, vector<16xf32>,
    %swap3A_537 = vector.shape_cast %swap3A_536 : vector<16xf32> to vector<16xf32>
    %swap3A_538 = vector.shape_cast %add3A_534 : vector<16xf32> to vector<16xf32>
    tpu.vector_store %arg17[%swap3A_535], %swap3A_538 {strides = array<i32>} : memref<512xf32, #tpu.memory_space<vmem>>, vector<16xf32>,
    %get3A_539 = arith.constant 352 : index
    %get3A_540 = tpu.vector_load %arg14[%get3A_539] {strides = array<i32>} : memref<512xf32, #tpu.memory_space<vmem>>, vector<16xf32>,
    %get3A_541 = vector.shape_cast %get3A_540 : vector<16xf32> to vector<16xf32>
    %get3A_542 = arith.constant 352 : index
    %get3A_543 = tpu.vector_load %arg15[%get3A_542] {strides = array<i32>} : memref<512xf32, #tpu.memory_space<vmem>>, vector<16xf32>,
    %get3A_544 = vector.shape_cast %get3A_543 : vector<16xf32> to vector<16xf32>
    %add3A_545 = arith.addf %get3A_541, %get3A_544 : vector<16xf32>
    %swap3A_546 = arith.constant 352 : index
    %swap3A_547 = tpu.vector_load %arg17[%swap3A_546] {strides = array<i32>} : memref<512xf32, #tpu.memory_space<vmem>>, vector<16xf32>,
    %swap3A_548 = vector.shape_cast %swap3A_547 : vector<16xf32> to vector<16xf32>
    %swap3A_549 = vector.shape_cast %add3A_545 : vector<16xf32> to vector<16xf32>
    tpu.vector_store %arg17[%swap3A_546], %swap3A_549 {strides = array<i32>} : memref<512xf32, #tpu.memory_space<vmem>>, vector<16xf32>,
    %get3A_550 = arith.constant 368 : index
    %get3A_551 = tpu.vector_load %arg14[%get3A_550] {strides = array<i32>} : memref<512xf32, #tpu.memory_space<vmem>>, vector<16xf32>,
    %get3A_552 = vector.shape_cast %get3A_551 : vector<16xf32> to vector<16xf32>
    %get3A_553 = arith.constant 368 : index
    %get3A_554 = tpu.vector_load %arg15[%get3A_553] {strides = array<i32>} : memref<512xf32, #tpu.memory_space<vmem>>, vector<16xf32>,
    %get3A_555 = vector.shape_cast %get3A_554 : vector<16xf32> to vector<16xf32>
    %add3A_556 = arith.addf %get3A_552, %get3A_555 : vector<16xf32>
    %swap3A_557 = arith.constant 368 : index
    %swap3A_558 = tpu.vector_load %arg17[%swap3A_557] {strides = array<i32>} : memref<512xf32, #tpu.memory_space<vmem>>, vector<16xf32>,
    %swap3A_559 = vector.shape_cast %swap3A_558 : vector<16xf32> to vector<16xf32>
    %swap3A_560 = vector.shape_cast %add3A_556 : vector<16xf32> to vector<16xf32>
    tpu.vector_store %arg17[%swap3A_557], %swap3A_560 {strides = array<i32>} : memref<512xf32, #tpu.memory_space<vmem>>, vector<16xf32>,
    %get3A_561 = arith.constant 384 : index
    %get3A_562 = tpu.vector_load %arg14[%get3A_561] {strides = array<i32>} : memref<512xf32, #tpu.memory_space<vmem>>, vector<16xf32>,
    %get3A_563 = vector.shape_cast %get3A_562 : vector<16xf32> to vector<16xf32>
    %get3A_564 = arith.constant 384 : index
    %get3A_565 = tpu.vector_load %arg15[%get3A_564] {strides = array<i32>} : memref<512xf32, #tpu.memory_space<vmem>>, vector<16xf32>,
    %get3A_566 = vector.shape_cast %get3A_565 : vector<16xf32> to vector<16xf32>
    %add3A_567 = arith.addf %get3A_563, %get3A_566 : vector<16xf32>
    %swap3A_568 = arith.constant 384 : index
    %swap3A_569 = tpu.vector_load %arg17[%swap3A_568] {strides = array<i32>} : memref<512xf32, #tpu.memory_space<vmem>>, vector<16xf32>,
    %swap3A_570 = vector.shape_cast %swap3A_569 : vector<16xf32> to vector<16xf32>
    %swap3A_571 = vector.shape_cast %add3A_567 : vector<16xf32> to vector<16xf32>
    tpu.vector_store %arg17[%swap3A_568], %swap3A_571 {strides = array<i32>} : memref<512xf32, #tpu.memory_space<vmem>>, vector<16xf32>,
    %get3A_572 = arith.constant 400 : index
    %get3A_573 = tpu.vector_load %arg14[%get3A_572] {strides = array<i32>} : memref<512xf32, #tpu.memory_space<vmem>>, vector<16xf32>,
    %get3A_574 = vector.shape_cast %get3A_573 : vector<16xf32> to vector<16xf32>
    %get3A_575 = arith.constant 400 : index
    %get3A_576 = tpu.vector_load %arg15[%get3A_575] {strides = array<i32>} : memref<512xf32, #tpu.memory_space<vmem>>, vector<16xf32>,
    %get3A_577 = vector.shape_cast %get3A_576 : vector<16xf32> to vector<16xf32>
    %add3A_578 = arith.addf %get3A_574, %get3A_577 : vector<16xf32>
    %swap3A_579 = arith.constant 400 : index
    %swap3A_580 = tpu.vector_load %arg17[%swap3A_579] {strides = array<i32>} : memref<512xf32, #tpu.memory_space<vmem>>, vector<16xf32>,
    %swap3A_581 = vector.shape_cast %swap3A_580 : vector<16xf32> to vector<16xf32>
    %swap3A_582 = vector.shape_cast %add3A_578 : vector<16xf32> to vector<16xf32>
    tpu.vector_store %arg17[%swap3A_579], %swap3A_582 {strides = array<i32>} : memref<512xf32, #tpu.memory_space<vmem>>, vector<16xf32>,
    %get3A_583 = arith.constant 416 : index
    %get3A_584 = tpu.vector_load %arg14[%get3A_583] {strides = array<i32>} : memref<512xf32, #tpu.memory_space<vmem>>, vector<16xf32>,
    %get3A_585 = vector.shape_cast %get3A_584 : vector<16xf32> to vector<16xf32>
    %get3A_586 = arith.constant 416 : index
    %get3A_587 = tpu.vector_load %arg15[%get3A_586] {strides = array<i32>} : memref<512xf32, #tpu.memory_space<vmem>>, vector<16xf32>,
    %get3A_588 = vector.shape_cast %get3A_587 : vector<16xf32> to vector<16xf32>
    %add3A_589 = arith.addf %get3A_585, %get3A_588 : vector<16xf32>
    %swap3A_590 = arith.constant 416 : index
    %swap3A_591 = tpu.vector_load %arg17[%swap3A_590] {strides = array<i32>} : memref<512xf32, #tpu.memory_space<vmem>>, vector<16xf32>,
    %swap3A_592 = vector.shape_cast %swap3A_591 : vector<16xf32> to vector<16xf32>
    %swap3A_593 = vector.shape_cast %add3A_589 : vector<16xf32> to vector<16xf32>
    tpu.vector_store %arg17[%swap3A_590], %swap3A_593 {strides = array<i32>} : memref<512xf32, #tpu.memory_space<vmem>>, vector<16xf32>,
    %get3A_594 = arith.constant 432 : index
    %get3A_595 = tpu.vector_load %arg14[%get3A_594] {strides = array<i32>} : memref<512xf32, #tpu.memory_space<vmem>>, vector<16xf32>,
    %get3A_596 = vector.shape_cast %get3A_595 : vector<16xf32> to vector<16xf32>
    %get3A_597 = arith.constant 432 : index
    %get3A_598 = tpu.vector_load %arg15[%get3A_597] {strides = array<i32>} : memref<512xf32, #tpu.memory_space<vmem>>, vector<16xf32>,
    %get3A_599 = vector.shape_cast %get3A_598 : vector<16xf32> to vector<16xf32>
    %add3A_600 = arith.addf %get3A_596, %get3A_599 : vector<16xf32>
    %swap3A_601 = arith.constant 432 : index
    %swap3A_602 = tpu.vector_load %arg17[%swap3A_601] {strides = array<i32>} : memref<512xf32, #tpu.memory_space<vmem>>, vector<16xf32>,
    %swap3A_603 = vector.shape_cast %swap3A_602 : vector<16xf32> to vector<16xf32>
    %swap3A_604 = vector.shape_cast %add3A_600 : vector<16xf32> to vector<16xf32>
    tpu.vector_store %arg17[%swap3A_601], %swap3A_604 {strides = array<i32>} : memref<512xf32, #tpu.memory_space<vmem>>, vector<16xf32>,
    %get3A_605 = arith.constant 448 : index
    %get3A_606 = tpu.vector_load %arg14[%get3A_605] {strides = array<i32>} : memref<512xf32, #tpu.memory_space<vmem>>, vector<16xf32>,
    %get3A_607 = vector.shape_cast %get3A_606 : vector<16xf32> to vector<16xf32>
    %get3A_608 = arith.constant 448 : index
    %get3A_609 = tpu.vector_load %arg15[%get3A_608] {strides = array<i32>} : memref<512xf32, #tpu.memory_space<vmem>>, vector<16xf32>,
    %get3A_610 = vector.shape_cast %get3A_609 : vector<16xf32> to vector<16xf32>
    %add3A_611 = arith.addf %get3A_607, %get3A_610 : vector<16xf32>
    %swap3A_612 = arith.constant 448 : index
    %swap3A_613 = tpu.vector_load %arg17[%swap3A_612] {strides = array<i32>} : memref<512xf32, #tpu.memory_space<vmem>>, vector<16xf32>,
    %swap3A_614 = vector.shape_cast %swap3A_613 : vector<16xf32> to vector<16xf32>
    %swap3A_615 = vector.shape_cast %add3A_611 : vector<16xf32> to vector<16xf32>
    tpu.vector_store %arg17[%swap3A_612], %swap3A_615 {strides = array<i32>} : memref<512xf32, #tpu.memory_space<vmem>>, vector<16xf32>,
    %get3A_616 = arith.constant 464 : index
    %get3A_617 = tpu.vector_load %arg14[%get3A_616] {strides = array<i32>} : memref<512xf32, #tpu.memory_space<vmem>>, vector<16xf32>,
    %get3A_618 = vector.shape_cast %get3A_617 : vector<16xf32> to vector<16xf32>
    %get3A_619 = arith.constant 464 : index
    %get3A_620 = tpu.vector_load %arg15[%get3A_619] {strides = array<i32>} : memref<512xf32, #tpu.memory_space<vmem>>, vector<16xf32>,
    %get3A_621 = vector.shape_cast %get3A_620 : vector<16xf32> to vector<16xf32>
    %add3A_622 = arith.addf %get3A_618, %get3A_621 : vector<16xf32>
    %swap3A_623 = arith.constant 464 : index
    %swap3A_624 = tpu.vector_load %arg17[%swap3A_623] {strides = array<i32>} : memref<512xf32, #tpu.memory_space<vmem>>, vector<16xf32>,
    %swap3A_625 = vector.shape_cast %swap3A_624 : vector<16xf32> to vector<16xf32>
    %swap3A_626 = vector.shape_cast %add3A_622 : vector<16xf32> to vector<16xf32>
    tpu.vector_store %arg17[%swap3A_623], %swap3A_626 {strides = array<i32>} : memref<512xf32, #tpu.memory_space<vmem>>, vector<16xf32>,
    %get3A_627 = arith.constant 480 : index
    %get3A_628 = tpu.vector_load %arg14[%get3A_627] {strides = array<i32>} : memref<512xf32, #tpu.memory_space<vmem>>, vector<16xf32>,
    %get3A_629 = vector.shape_cast %get3A_628 : vector<16xf32> to vector<16xf32>
    %get3A_630 = arith.constant 480 : index
    %get3A_631 = tpu.vector_load %arg15[%get3A_630] {strides = array<i32>} : memref<512xf32, #tpu.memory_space<vmem>>, vector<16xf32>,
    %get3A_632 = vector.shape_cast %get3A_631 : vector<16xf32> to vector<16xf32>
    %add3A_633 = arith.addf %get3A_629, %get3A_632 : vector<16xf32>
    %swap3A_634 = arith.constant 480 : index
    %swap3A_635 = tpu.vector_load %arg17[%swap3A_634] {strides = array<i32>} : memref<512xf32, #tpu.memory_space<vmem>>, vector<16xf32>,
    %swap3A_636 = vector.shape_cast %swap3A_635 : vector<16xf32> to vector<16xf32>
    %swap3A_637 = vector.shape_cast %add3A_633 : vector<16xf32> to vector<16xf32>
    tpu.vector_store %arg17[%swap3A_634], %swap3A_637 {strides = array<i32>} : memref<512xf32, #tpu.memory_space<vmem>>, vector<16xf32>,
    %get3A_638 = arith.constant 496 : index
    %get3A_639 = tpu.vector_load %arg14[%get3A_638] {strides = array<i32>} : memref<512xf32, #tpu.memory_space<vmem>>, vector<16xf32>,
    %get3A_640 = vector.shape_cast %get3A_639 : vector<16xf32> to vector<16xf32>
    %get3A_641 = arith.constant 496 : index
    %get3A_642 = tpu.vector_load %arg15[%get3A_641] {strides = array<i32>} : memref<512xf32, #tpu.memory_space<vmem>>, vector<16xf32>,
    %get3A_643 = vector.shape_cast %get3A_642 : vector<16xf32> to vector<16xf32>
    %add3A_644 = arith.addf %get3A_640, %get3A_643 : vector<16xf32>
    %swap3A_645 = arith.constant 496 : index
    %swap3A_646 = tpu.vector_load %arg17[%swap3A_645] {strides = array<i32>} : memref<512xf32, #tpu.memory_space<vmem>>, vector<16xf32>,
    %swap3A_647 = vector.shape_cast %swap3A_646 : vector<16xf32> to vector<16xf32>
    %swap3A_648 = vector.shape_cast %add3A_644 : vector<16xf32> to vector<16xf32>
    tpu.vector_store %arg17[%swap3A_645], %swap3A_648 {strides = array<i32>} : memref<512xf32, #tpu.memory_space<vmem>>, vector<16xf32>,
    "tpu.region"() ({
      %run_scoped3A = tpu.sem_alloc : memref<!tpu.dma_semaphore, #tpu.memory_space<semaphore_mem>>
      %dma_start3A_649 = tpu.memref_slice %arg9[%mul3A_2] : memref<16384xf32, #tpu.memory_space<hbm>> -> memref<512xf32, #tpu.memory_space<hbm>>
      %dma_start3A_650 = tpu.memref_slice %arg9[%mul3A_2] : memref<16384xf32, #tpu.memory_space<hbm>> -> memref<512xf32, #tpu.memory_space<hbm>>
      tpu.enqueue_dma source(%arg17 : memref<512xf32, #tpu.memory_space<vmem>>) target(%dma_start3A_650 : memref<512xf32, #tpu.memory_space<hbm>>) target_semaphore(%run_scoped3A : memref<!tpu.dma_semaphore, #tpu.memory_space<semaphore_mem>>)
      %dma_wait3A_651 = tpu.memref_slice %arg9[%mul3A_2] : memref<16384xf32, #tpu.memory_space<hbm>> -> memref<512xf32, #tpu.memory_space<hbm>>
      %dma_wait3A_652 = tpu.memref_slice %arg9[%mul3A_2] : memref<16384xf32, #tpu.memory_space<hbm>> -> memref<512xf32, #tpu.memory_space<hbm>>
      tpu.wait_dma2 semaphore(%run_scoped3A : memref<!tpu.dma_semaphore, #tpu.memory_space<semaphore_mem>>) src(%arg17 : memref<512xf32, #tpu.memory_space<vmem>>) dst(%dma_wait3A_652 : memref<512xf32, #tpu.memory_space<hbm>>)
      tpu.yield
    }) : () -> ()
    return
  }
}

module attributes {stable_mosaic.version = 14 : i64} {
  func.func @_tc_finish(%arg0: memref<32x16xf32, #tpu.memory_space<vmem>>, %arg1: memref<128x128xf32, #tpu.memory_space<vmem>>, %arg2: memref<128x128xf32, #tpu.memory_space<vmem>>) attributes {dimension_semantics = [], scalar_prefetch = 0 : i64, scratch_operands = 0 : i64, tpu.core_type = #tpu.core_type<tc>} {
    %get3A = arith.constant 0 : index
    %get3A_0 = arith.constant 0 : index
    %get3A_1 = vector.load %arg0[%get3A, %get3A_0] : memref<32x16xf32, #tpu.memory_space<vmem>>, vector<32x16xf32>
    %reduce_sum3A = vector.shape_cast %get3A_1 : vector<32x16xf32> to vector<1x32x16xf32>
    %reduce_sum3A_2 = arith.constant dense<0.000000e+00> : vector<1xf32>
    %reduce_sum3A_3 = vector.multi_reduction <add>, %reduce_sum3A, %reduce_sum3A_2 [1, 2] : vector<1x32x16xf32> to vector<1xf32>
    %reduce_sum3A_4 = vector.shape_cast %reduce_sum3A_3 : vector<1xf32> to vector<1x1x1xf32>
    %reduce_sum3A_5 = vector.extract %reduce_sum3A_4[0, 0, 0] : f32 from vector<1x1x1xf32>
    %get3A_6 = arith.constant 0 : index
    %get3A_7 = arith.constant 0 : index
    %get3A_8 = vector.load %arg1[%get3A_6, %get3A_7] : memref<128x128xf32, #tpu.memory_space<vmem>>, vector<128x128xf32>
    %add3A = vector.broadcast %reduce_sum3A_5 : f32 to vector<128x128xf32>
    %add3A_9 = arith.addf %get3A_8, %add3A : vector<128x128xf32>
    %logistic3A = arith.negf %add3A_9 : vector<128x128xf32>
    %logistic3A_10 = math.exp %logistic3A : vector<128x128xf32>
    %logistic3A_11 = arith.constant 1.000000e+00 : f32
    %logistic3A_12 = vector.broadcast %logistic3A_11 : f32 to vector<128x128xf32>
    %logistic3A_13 = arith.addf %logistic3A_12, %logistic3A_10 : vector<128x128xf32>
    %logistic3A_14 = arith.divf %logistic3A_12, %logistic3A_13 : vector<128x128xf32>
    %swap3A = arith.constant 0 : index
    %swap3A_15 = arith.constant 0 : index
    %swap3A_16 = vector.load %arg2[%swap3A, %swap3A_15] : memref<128x128xf32, #tpu.memory_space<vmem>>, vector<128x128xf32>
    tpu.vector_store %arg2[%swap3A, %swap3A_15], %logistic3A_14 {strides = array<i32>} : memref<128x128xf32, #tpu.memory_space<vmem>>, vector<128x128xf32>,
    return
  }
}

</mosaic_0001>

<sc_bundles>
// kernel: kernel.4.cloned.1.call-start
scs
__scs_entry_jumppad:
0x0: {  	(pc) =	sbr.rel $0x88, $3  }
0x1: {  	(tag) =	ssettag $0x0;
	lr =	simm.s32 $0x1  }
0x2: {  	[smem:$0x3F9C] =	sst lr;
	_ =	strace $0xD0000000  }
0x3: {  	_ = 	snop  }
0x4: {  	_ = 	snop  }
0x5: {  	_ = 	snop  }
0x6: {  	_ = 	snop  }
0x7: {  	_ = 	snop  }
__scs_overlays_trampoline_lowered:
0x8: {  	[smem:$0x3FAB] =	sst s0  }
0x9: {  	[smem:$0x3FAC] =	sst s1  }
0xa: {  	[smem:$0x3FAD] =	sst s2  }
0xb: {  	[smem:$0x3FAE] =	sst s3  }
0xc: {  	[smem:$0x3FAF] =	sst s4  }
0xd: {  	[smem:$0x3FB0] =	sst s5  }
0xe: {  	[smem:$0x3FB1] =	sst s6  }
0xf: {  	[smem:$0x3FB2] =	sst s7  }
0x10: {  	[smem:$0x3FB3] =	sst s8  }
0x11: {  	[smem:$0x3FB4] =	sst s9;
	s0 =	simm.s32 @!p0 $0x0  }
0x12: {  	s1 =	sld [smem:$0x3F9A];
	s0 =	simm.s32 @p0 $0x1  }
0x13: {  	[smem:$0x3FB5] =	sst s0;
	s0 =	simm.s32 @!p1 $0x0  }
0x14: {  	s2 =	sld [smem:$0x3F99];
	s0 =	simm.s32 @p1 $0x1  }
0x15: {  	[smem:$0x3FB6] =	sst s0;
	s0 =	simm.s32 @!p2 $0x0  }
0x16: {  	s3 =	sld [smem:$0x3FDB];
	s0 =	simm.s32 @p2 $0x1  }
0x17: {  	s4 =	simm.s32 $0x1BF5;
	[smem:$0x3FB8] =	sst s0  }
0x18: {  	s0 =	sld [smem:$0x3F9B];
	_ =	swait.ge [sflag:s4], $0x0  }
0x19: {  	s7 =	sld [smem:$0x3F9C]  }
0x1a: {  	s8 =	sadd.s32 $0xFFFFE003, lr  }
0x1b: {  	s9 =	sadd.s32 $0xFFFFFEF7, lr;
	s5 =	simm.s32 $0xFFFFFFFF;
	p2 =	slt.u32 s8, $0xFFFFF086  }
0x1c: {  	p1 =	slt.u32 s9, $0xF7A;
	s5 =	simm.s32 @!p2 $0x0  }
0x1d: {  	s5 =	simm.s32 @p1 $0x1;
	p0 =	seq.s32 s7, s2  }
0x1e: {  	s7 =	smul.u32 @!p0 $0xF7A, s2;
	p2 =	seq.s32 @!p0 s5, $0x0  }
0x1f: {  	s9 =	smul.u32 $0xF7A, s1;
	s8 =	simm.s32 @!p0 $0x1BF5;
	p2 =	por !p2, p0  }
0x20: {  	[sflag:s8] =	ssyncset.s32 @!p0 $0xFFFFF086;
	s6 =	sadd.s32 @!p0 s3, s7;
	s7 =	simm.s32 @!p0 $0x108  }
0x21: {  	s3 =	sadd.s32 s3, s9;
	s6 =	sadd.s32 @!p0 $0x88, s6;
	s7 =	simm.s32 @p2 $0x1082  }
0x22: {  	[simem:s7], [sflag:s8] =	dma.local @!p0 [hbm:s6], $0xF7A  }
0x23: {  	s9 =	sor.u32 $0xD0000000, s2;
	s6 =	simm.s32 $0x108;
	_ =	swait.ge @!p0 [sflag:s8], $0x0  }
0x24: {  	s3 =	sadd.s32 $0x88, s3;
	s6 =	simm.s32 @!p1 $0x1082;
	[sflag:s4] =	ssyncset.s32 $0xFFFFF086  }
0x25: {  	[simem:s6], [sflag:s4] =	dma.local [hbm:s3], $0xF7A  }
0x26: {  	[smem:$0x3F9C] =	sst s1;
	(tag) =	ssettag s2;
	_ =	strace s9  }
0x27: {  	s1 =	sld [smem:$0x3FAC]  }
0x28: {  	s2 =	sld [smem:$0x3FAD]  }
0x29: {  	s4 =	sld [smem:$0x3FAF]  }
0x2a: {  	p0 =	seq.s32 s5, $0x0;
	s5 =	sld [smem:$0x3FB0]  }
0x2b: {  	s6 =	sld [smem:$0x3FB1]  }
0x2c: {  	s7 =	sld [smem:$0x3FB2]  }
0x2d: {  	s3 =	simm.s32 $0x108;
	s8 =	sld [smem:$0x3FB3]  }
0x2e: {  	s3 =	simm.s32 @!p0 $0x1082;
	s9 =	sld [smem:$0x3FB4]  }
0x2f: {  	lr =	sadd.s32 s0, s3;
	s0 =	sld [smem:$0x3FAB]  }
0x30: {  	s3 =	sld [smem:$0x3FAE]  }
0x31: {  	[smem:$0x3FB7] =	sst s10  }
0x32: {  	s10 =	sld [smem:$0x3FB5];
	_ =	sdelay $0x3  }
0x33: {  	p0 =	seq.s32 s10, $0x1;
	s10 =	sld [smem:$0x3FB7];
	_ =	sdelay $0x3  }
0x34: {  	[smem:$0x3FB7] =	sst s10  }
0x35: {  	s10 =	sld [smem:$0x3FB6];
	_ =	sdelay $0x3  }
0x36: {  	p1 =	seq.s32 s10, $0x1;
	s10 =	sld [smem:$0x3FB7];
	_ =	sdelay $0x3  }
0x37: {  	[smem:$0x3FB7] =	sst s10  }
0x38: {  	s10 =	sld [smem:$0x3FB8]  }
0x39: {  	_ = 	snop;
	(pc) =	sbr.ind lr, $3  }
0x3a: {  	_ = 	snop  }
0x3b: {  	_ = 	snop  }
0x3c: {  	p2 =	seq.s32 s10, $0x1;
	s10 =	sld [smem:$0x3FB7]  }
0x3d: {  	_ =	shalt  }
0x3e: {  	_ =	shalt  }
0x3f: {  	_ =	shalt  }
0x40: {  	_ =	shalt  }
0x41: {  	_ =	shalt  }
0x42: {  	_ =	shalt  }
0x43: {  	_ =	shalt  }
0x44: {  	_ =	shalt  }
0x45: {  	_ =	shalt  }
0x46: {  	_ =	shalt  }
0x47: {  	_ =	shalt  }
0x48: {  	_ =	shalt  }
0x49: {  	_ =	shalt  }
0x4a: {  	_ =	shalt  }
0x4b: {  	_ =	shalt  }
0x4c: {  	_ =	shalt  }
0x4d: {  	_ =	shalt  }
0x4e: {  	_ =	shalt  }
0x4f: {  	_ =	shalt  }
0x50: {  	_ =	shalt  }
0x51: {  	_ =	shalt  }
0x52: {  	_ =	shalt  }
0x53: {  	_ =	shalt  }
0x54: {  	_ =	shalt  }
0x55: {  	_ =	shalt  }
0x56: {  	_ =	shalt  }
0x57: {  	_ =	shalt  }
0x58: {  	_ =	shalt  }
0x59: {  	_ =	shalt  }
0x5a: {  	_ =	shalt  }
0x5b: {  	_ =	shalt  }
0x5c: {  	_ =	shalt  }
0x5d: {  	_ =	shalt  }
0x5e: {  	_ =	shalt  }
0x5f: {  	_ =	shalt  }
0x60: {  	_ =	shalt  }
0x61: {  	_ =	shalt  }
0x62: {  	_ =	shalt  }
0x63: {  	_ =	shalt  }
0x64: {  	_ =	shalt  }
0x65: {  	_ =	shalt  }
0x66: {  	_ =	shalt  }
0x67: {  	_ =	shalt  }
0x68: {  	_ =	shalt  }
0x69: {  	_ =	shalt  }
0x6a: {  	_ =	shalt  }
0x6b: {  	_ =	shalt  }
0x6c: {  	_ =	shalt  }
0x6d: {  	_ =	shalt  }
0x6e: {  	_ =	shalt  }
0x6f: {  	_ =	shalt  }
0x70: {  	_ =	shalt  }
0x71: {  	_ =	shalt  }
0x72: {  	_ =	shalt  }
0x73: {  	_ =	shalt  }
0x74: {  	_ =	shalt  }
0x75: {  	_ =	shalt  }
0x76: {  	_ =	shalt  }
0x77: {  	_ =	shalt  }
0x78: {  	_ =	shalt  }
0x79: {  	_ =	shalt  }
0x7a: {  	_ =	shalt  }
0x7b: {  	_ =	shalt  }
0x7c: {  	_ =	shalt  }
0x7d: {  	_ =	shalt  }
0x7e: {  	_ =	shalt  }
0x7f: {  	_ =	shalt  }
0x80: {  	_ =	shalt  }
0x81: {  	_ =	shalt  }
0x82: {  	_ =	shalt  }
0x83: {  	_ =	shalt  }
0x84: {  	_ =	shalt  }
0x85: {  	_ =	shalt  }
0x86: {  	_ =	shalt  }
0x87: {  	_ =	shalt  }
.Lfunc_end0:
.L_simem_size_0:
called_computation_lowered:
.L_overlay_start_0:
0x88: {  	s2 =	sld [smem:$0x3FD9]  }
0x89: {  	s3 =	sld [smem:$0x3FFE];
	_ =	sdelay $0x1  }
0x8a: {  	s1 =	srdreg.scid  }
0x8b: {  	s0 =	sand.u32 $0x1, s1  }
0x8c: {  	s17 =	sshll.u32 s0, $0xA;
	s2 =	sadd.s32 s3, s2  }
0x8d: {  	s2 =	sadd.s32 s2, s17  }
0x8e: {  	[smem:$0x3FC3] =	sst s2  }
0x8f: {  	_ = 	snop  }
0x90: {  	s2 =	sld [smem:$0x3FD0];
	(tm) =	ssettm $0x1  }
0x91: {  	s18 =	sld [smem:$0x3FFB];
	_ =	sdelay $0x3  }
0x92: {  	_ =	strace s18  }
0x93: {  	s3 =	sld [smem:$0x3FFC];
	_ =	sdelay $0x3  }
0x94: {  	_ =	strace s3  }
0x95: {  	s3 =	sld [smem:$0x3FFD];
	_ =	sdelay $0x3  }
0x96: {  	_ =	strace s3  }
0x97: {  	_ =	strace $0x8FFFFFFF  }
0x98: {  	s19 =	sld [smem:$0x3FDB];
	_ =	sdelay $0x1  }
0x99: {  	s4 =	simm.s32 $_scs_section_size  }
0x9a: {  	s5 =	simm.s32 $_size__tile_overlayer_lowered;
	s6 =	simm.s32 $_tile_overlayer_lowered  }
0x9b: {  	s22 =	simm.s32 $0x1BFF;
	s21 =	sshll.u32 s6, $0x1;
	s3 =	sadd.s32 s4, s19  }
0x9c: {  	s7 =	simm.s32 $0x0;
	s20 =	sshll.u32 s5, $0x1;
	s5 =	sadd.s32 s21, s3  }
0x9d: {  	[timem:s7], [sflag:s22] =	dma.local [hbm:s5], s20  }
0x9e: {  	_ =	swait.ge [sflag:s22], s20  }
0x9f: {  	s4 =	ssub.s32 $0x0, s20;
	[sflag:s22] =	ssyncset.done $0x0  }
0xa0: {  	[sflag:s22] =	ssyncadd.s32 s4;
	_ =	sdelay $0x1  }
0xa1: {  	s23 =	simm.s32 $0x1B8B  }
0xa2: {  	_ =	swait.ge [sflag:s23], $0x1  }
0xa3: {  	[sflag:s23] =	ssyncset.done $0x0  }
0xa4: {  	s25 =	simm.s32 $0x1B8E;
	s24 =	sld [smem:$0x3FFE];
	[sflag:s23] =	ssyncadd.s32 $0xFFFFFFFF  }
0xa5: {  	s26 =	simm.s32 $execute0_lowered;
	[smem:$0x3FD2] =	sst s25  }
0xa6: {  	s5 =	sshll.u32 s26, $0x1;
	_ =	strace $0x80000046;
	[dreg:$0x1] =	wrdreg $0xFFFFFFFF  }
0xa7: {  	s28 =	simm.s32 $_size_execute0_lowered;
	s3 =	sadd.s32 s3, s5;
	[dreg:$0x0] =	wrdreg $0x0  }
0xa8: {  	s5 =	sshll.u32 s28, $0x1;
	[dreg:$0x2] =	wrdreg s3  }
0xa9: {  	[dreg:$0x3] =	wrdreg s5  }
0xaa: {  	[dreg:$0x4] =	wrdreg $0xC0  }
0xab: {  	_ =	task [dreg:s7], $0x5FFFF  }
0xac: {  	[dreg:$0x1] =	wrdreg $0xFFFFFFFF  }
0xad: {  	[dreg:$0x0] =	wrdreg $0x60  }
0xae: {  	[dreg:$0x2] =	wrdreg s24  }
0xaf: {  	[dreg:$0x3] =	wrdreg s2  }
0xb0: {  	[dreg:$0x4] =	wrdreg $0x9  }
0xb1: {  	_ =	task.clear_ibuf [dreg:s7], $0x5FFFF;
	_ =	strace $0x90000046  }
0xb2: {  	s29 =	simm.s32 $0x9;
	_ =	strace $0x80000048  }
0xb3: {  	_ =	swait.ge [sflag:s29], $0x1  }
0xb4: {  	[sflag:s29] =	ssyncadd.s32 $0xFFFFFFFF  }
0xb5: {  	_ =	strace $0x90000048  }
0xb6: {  	_ =	sfence  }
0xb7: {  	s30 =	sld [smem:$0x0];
	_ =	sdelay $0x2  }
0xb8: {  	s31 =	sshll.u32 s1, $0xD;
	s1 =	sshrl.u32 s1, $0x2  }
0xb9: {  	s3 =	sand.u32 $0x4000, s31;
	s1 =	sadd.s32 s1, s30  }
0xba: {  	s0 =	sor.u32 s3, s0;
	s1 =	sshll.u32 s1, $0x11  }
0xbb: {  	s0 =	sor.u32 s1, s0  }
0xbc: {  	s0 =	sadd.s32 $0x8F2B, s0  }
0xbd: {  	[sflag:s0] =	ssyncadd.remote.s32 $0x1  }
0xbe: {  	_ =	sfence.sel $0xFFFF  }
0xbf: {  	[dreg:$0x0] =	wrdreg $0xFFFFFFFF;
	(pc) =	sbr.abs _section_cstart, $3  }
0xc0: {  	[dreg:$0x1] =	wrdreg $0xFFFFFFFF  }
0xc1: {  	_ =	task.clear_ibuf [dreg:s7], $0x2FFFF;
	_ =	strace $0x9FFFFFFF  }
0xc2: {  	(tm) =	ssettm $0x7FFFFFFF  }
0xc3: {  	_ =	shalt  }
tec
execute0_lowered:
.L_overlay_start_1:
0x0: {  	(tag) =	ssettag $0x1  }
0x1: {  	s0 =	rddreg [dreg:$0x0]  }
0x2: {  	s2 =	rddreg [dreg:$0x1];
	s1 =	simm.s32 $0x0  }
0x3: {  	s6 =	srdreg.scid;
	s8 =	stileid.u32;
	s12 =	simm.s32 $0x2  }
0x4: {  	s13 =	simm.s32 $0x200;
	s14 =	simm.s32 $0x80;
	s20 =	simm.s32 $0x280  }
0x5: {  	s24 =	simm.s32 $0x100;
	s26 =	simm.s32 $0x300;
	s28 =	simm.s32 $0x3400  }
0x6: {  	s29 =	simm.s32 $0x4500;
	s30 =	simm.s32 $0x4700;
	s31 =	simm.s32 $0x180  }
0x7: {  	s15 =	simm.s32 $0x3C00;
	s16 =	simm.s32 $0x4580;
	s17 =	simm.s32 $0x4780  }
0x8: {  	s18 =	simm.s32 $0x1;
	s19 =	simm.s32 $0x4800;
	s21 =	simm.s32 $0x4810  }
0x9: {  	s22 =	simm.s32 $0x0;
	[smem:$0x7FF] =	sst s1;
	s3 =	sadd.s32 $0x112B800, s0  }
0xa: {  	s4 =	sadd.s32 $0x1F800, s0;
	s7 =	sand.u32 $0x1, s6;
	s8 =	sshll.u32 s8, $0x1  }
0xb: {  	s5 =	sadd.s32 $0xF43200, s0;
	s6 =	sadd.s32 $0xE00, s0;
	s8 =	sor.u32 s7, s8  }
0xc: {  	_ =	strace $0x80000047;
	s7 =	ssub.s32 $0x2, s7;
	s9 =	sshll.u32 s8, $0x1  }
0xd: {  	s8 =	sshll.u32 s8, $0x6;
	s10 =	sshrl.u32 s7, $0x1;
	s9 =	sadd.s32 s9, s0  }
0xe: {  	s0 =	sadd.s32 s8, s0;
	s11 =	ssub.s32 s7, s10;
	s8 =	sadd.s32 s2, s8  }
0xf: {  	s2 =	simm.s32 $0x380;
	s7 =	sadd.s32 $0x600, s0;
	s9 =	sadd.s32 $0x3E200, s9  }
0x10: {  	s10 =	sadd.s32 $0x3E400, s0;
	s11 =	smax.u32 s11, $0x1;
	s0 =	simm.s32 $0x1C00  }
.LBB2_1:
0x11: {  	[tilespmem:s1], [sflag:$0x2] =	stream.linear.gather [hbm4b:s7+s1], $0x200, $0x38;
	[tilespmem:$0x4A10] =	vst v63  }
0x12: {  	_ =	swait.ge [sflag:s12], $0x200  }
0x13: {  	[sflag:s12] =	ssyncset.done $0x0  }
0x14: {  	[sflag:s12] =	ssyncadd.s32 $0xFFFFFE00  }
0x15: {  	[tilespmem:s13], [sflag:$0x2] =	stream.linear.gather [hbm4b:s8+s1], $0x200, $0x38;
	[tilespmem:$0x4A10] =	vst v63  }
0x16: {  	_ =	swait.ge [sflag:s12], $0x200  }
0x17: {  	[sflag:s12] =	ssyncset.done $0x0  }
0x18: {  	s23 =	simm.s32 $0x400;
	[sflag:s12] =	ssyncadd.s32 $0xFFFFFE00  }
0x19: {  	[tilespmem:s23], [sflag:$0x1] =	stream.indirect.gather [hbm4b:s3+s14], $0x10, s1, s14, $0xb8;
	[tilespmem:$0x4A10] =	vst v63  }
0x1a: {  	s25 =	simm.s32 $0x2400  }
0x1b: {  	[tilespmem:s25], [sflag:$0x1] =	stream.indirect.gather [hbm4b:s5+s14], $0x10, s13, s14, $0xb8;
	[tilespmem:$0x4A10] =	vst v63  }
0x1c: {  	s25 =	simm.s32 $0x4400  }
0x1d: {  	[tilespmem:s25], [sflag:$0x1] =	stream.indirect.gather [hbm4b:s4+s14], $0x1, s1, s14, $0xb8;
	[tilespmem:$0x4A10] =	vst v63  }
0x1e: {  	s25 =	simm.s32 $0x4600  }
0x1f: {  	[tilespmem:s25], [sflag:$0x1] =	stream.indirect.gather [hbm4b:s6+s14], $0x1, s13, s14, $0xb8;
	[tilespmem:$0x4A10] =	vst v63  }
0x20: {  	s25 =	simm.s32 $0xC00  }
0x21: {  	[tilespmem:s25], [sflag:$0x1] =	stream.indirect.gather [hbm4b:s3+s14], $0x10, s14, s14, $0xb8;
	[tilespmem:$0x4A10] =	vst v63  }
0x22: {  	s25 =	simm.s32 $0x2C00  }
0x23: {  	[tilespmem:s25], [sflag:$0x1] =	stream.indirect.gather [hbm4b:s5+s14], $0x10, s20, s14, $0xb8;
	[tilespmem:$0x4A10] =	vst v63  }
0x24: {  	s25 =	simm.s32 $0x4480  }
0x25: {  	[tilespmem:s25], [sflag:$0x1] =	stream.indirect.gather [hbm4b:s4+s14], $0x1, s14, s14, $0xb8;
	[tilespmem:$0x4A10] =	vst v63  }
0x26: {  	s25 =	simm.s32 $0x4680  }
0x27: {  	[tilespmem:s25], [sflag:$0x1] =	stream.indirect.gather [hbm4b:s6+s14], $0x1, s20, s14, $0xb8;
	[tilespmem:$0x4A10] =	vst v63  }
0x28: {  	s25 =	simm.s32 $0x1400  }
0x29: {  	[tilespmem:s25], [sflag:$0x1] =	stream.indirect.gather [hbm4b:s3+s14], $0x10, s24, s14, $0xb8;
	[tilespmem:$0x4A10] =	vst v63  }
0x2a: {  	_ = 	snop  }
0x2b: {  	[tilespmem:s28], [sflag:$0x1] =	stream.indirect.gather [hbm4b:s5+s14], $0x10, s26, s14, $0xb8;
	[tilespmem:$0x4A10] =	vst v63  }
0x2c: {  	_ = 	snop  }
0x2d: {  	[tilespmem:s29], [sflag:$0x1] =	stream.indirect.gather [hbm4b:s4+s14], $0x1, s24, s14, $0xb8;
	[tilespmem:$0x4A10] =	vst v63  }
0x2e: {  	_ = 	snop  }
0x2f: {  	[tilespmem:s30], [sflag:$0x1] =	stream.indirect.gather [hbm4b:s6+s14], $0x1, s26, s14, $0xb8;
	[tilespmem:$0x4A10] =	vst v63  }
0x30: {  	_ = 	snop  }
0x31: {  	[tilespmem:s0], [sflag:$0x1] =	stream.indirect.gather [hbm4b:s3+s14], $0x10, s31, s14, $0xb8;
	[tilespmem:$0x4A10] =	vst v63  }
0x32: {  	_ = 	snop  }
0x33: {  	[tilespmem:s15], [sflag:$0x1] =	stream.indirect.gather [hbm4b:s5+s14], $0x10, s2, s14, $0xb8;
	[tilespmem:$0x4A10] =	vst v63  }
0x34: {  	_ = 	snop  }
0x35: {  	[tilespmem:s16], [sflag:$0x1] =	stream.indirect.gather [hbm4b:s4+s14], $0x1, s31, s14, $0xb8;
	[tilespmem:$0x4A10] =	vst v63  }
0x36: {  	_ = 	snop  }
0x37: {  	[tilespmem:s17], [sflag:$0x1] =	stream.indirect.gather [hbm4b:s6+s14], $0x1, s2, s14, $0xb8;
	[tilespmem:$0x4A10] =	vst v63  }
0x38: {  	_ =	swait.ge [sflag:s18], $0x800  }
0x39: {  	[sflag:s18] =	ssyncset.done $0x0  }
0x3a: {  	[sflag:s18] =	ssyncadd.s32 $0xFFFFF800  }
0x3b: {  	_ =	swait.ge [sflag:s18], $0x800  }
0x3c: {  	[sflag:s18] =	ssyncset.done $0x0  }
0x3d: {  	[sflag:s18] =	ssyncadd.s32 $0xFFFFF800  }
0x3e: {  	_ =	swait.ge [sflag:s18], $0x80  }
0x3f: {  	[sflag:s18] =	ssyncset.done $0x0  }
0x40: {  	[sflag:s18] =	ssyncadd.s32 $0xFFFFFF80  }
0x41: {  	_ =	swait.ge [sflag:s18], $0x80  }
0x42: {  	[sflag:s18] =	ssyncset.done $0x0  }
0x43: {  	[sflag:s18] =	ssyncadd.s32 $0xFFFFFF80  }
0x44: {  	_ =	swait.ge [sflag:s18], $0x800  }
0x45: {  	[sflag:s18] =	ssyncset.done $0x0  }
0x46: {  	[sflag:s18] =	ssyncadd.s32 $0xFFFFF800  }
0x47: {  	_ =	swait.ge [sflag:s18], $0x800  }
0x48: {  	[sflag:s18] =	ssyncset.done $0x0  }
0x49: {  	[sflag:s18] =	ssyncadd.s32 $0xFFFFF800  }
0x4a: {  	_ =	swait.ge [sflag:s18], $0x80  }
0x4b: {  	[sflag:s18] =	ssyncset.done $0x0  }
0x4c: {  	[sflag:s18] =	ssyncadd.s32 $0xFFFFFF80  }
0x4d: {  	_ =	swait.ge [sflag:s18], $0x80  }
0x4e: {  	[sflag:s18] =	ssyncset.done $0x0  }
0x4f: {  	[sflag:s18] =	ssyncadd.s32 $0xFFFFFF80  }
0x50: {  	_ =	swait.ge [sflag:s18], $0x800  }
0x51: {  	[sflag:s18] =	ssyncset.done $0x0  }
0x52: {  	[sflag:s18] =	ssyncadd.s32 $0xFFFFF800  }
0x53: {  	_ =	swait.ge [sflag:s18], $0x800  }
0x54: {  	[sflag:s18] =	ssyncset.done $0x0  }
0x55: {  	[sflag:s18] =	ssyncadd.s32 $0xFFFFF800  }
0x56: {  	_ =	swait.ge [sflag:s18], $0x80  }
0x57: {  	[sflag:s18] =	ssyncset.done $0x0  }
0x58: {  	[sflag:s18] =	ssyncadd.s32 $0xFFFFFF80  }
0x59: {  	_ =	swait.ge [sflag:s18], $0x80  }
0x5a: {  	[sflag:s18] =	ssyncset.done $0x0  }
0x5b: {  	[sflag:s18] =	ssyncadd.s32 $0xFFFFFF80  }
0x5c: {  	_ =	swait.ge [sflag:s18], $0x800  }
0x5d: {  	[sflag:s18] =	ssyncset.done $0x0  }
0x5e: {  	[sflag:s18] =	ssyncadd.s32 $0xFFFFF800  }
0x5f: {  	_ =	swait.ge [sflag:s18], $0x800  }
0x60: {  	[sflag:s18] =	ssyncset.done $0x0  }
0x61: {  	[sflag:s18] =	ssyncadd.s32 $0xFFFFF800  }
0x62: {  	_ =	swait.ge [sflag:s18], $0x80  }
0x63: {  	[sflag:s18] =	ssyncset.done $0x0  }
0x64: {  	[sflag:s18] =	ssyncadd.s32 $0xFFFFFF80  }
0x65: {  	_ =	swait.ge [sflag:s18], $0x80  }
0x66: {  	[sflag:s18] =	ssyncset.done $0x0  }
0x67: {  	s25 =	simm.s32 $0x0;
	[sflag:s18] =	ssyncadd.s32 $0xFFFFFF80  }
0x68: {  	v1 =	vld [tilespmem:s25+$0x400]  }
0x69: {  	v0 =	vimm.f32 $0.0e+00;
	s23 =	simm.s32 $0x40;
	v2 =	vld [tilespmem:s25+$0x2400]  }
.LBB2_2:
0x6a: {  	_ = 	snop  }
0x6b: {  	p0 =	sne.s32 s23, $0x7FC0  }
.Ltmp0:
0x6c: {  	_ = 	snop;
	(pc) =	sbr.rel @p0 .LBB2_2-.Ltmp0, $4  }
0x6d: {  	_ = 	snop  }
0x6e: {  	s25 =	sshra.s32 s23, $0x2;
	v3 =	vmul.f32 v2, v1  }
0x6f: {  	v1 =	vld [tilespmem:s25+$0x400]  }
0x70: {  	s23 =	sadd.s32 $0x40, s23;
	v2 =	vld [tilespmem:s25+$0x2400];
	v0 =	vadd.f32 v3, v0  }
0x71: {  	_ =	sdelay $0x3  }
0x72: {  	v1 =	vmul.f32 v2, v1;
	_ =	sdelay $0x1  }
0x73: {  	v0 =	vadd.f32 v1, v0;
	_ =	sdelay $0x1  }
0x74: {  	[tilespmem:$0x4800] =	vst v0  }
0x75: {  	[hbm4b:s9+s1] =	stream.linear.scatter [tilespmem:s19], [sflag:$0x2], $0x10, $0x38;
	[tilespmem:$0x4A10] =	vst v63  }
0x76: {  	_ =	swait.ge [sflag:s12], $0x10  }
0x77: {  	[sflag:s12] =	ssyncset.done $0x0  }
0x78: {  	[sflag:s12] =	ssyncadd.s32 $0xFFFFFFF0  }
0x79: {  	v43 =	vld [tilespmem:$0x4400]  }
0x7a: {  	v44 =	vld [tilespmem:$0x4600]  }
0x7b: {  	v45 =	vld [tilespmem:$0x4410]  }
0x7c: {  	v3 =	vld [tilespmem:$0x4610]  }
0x7d: {  	v4 =	vld [tilespmem:$0x4420]  }
0x7e: {  	v5 =	vld [tilespmem:$0x4620]  }
0x7f: {  	v6 =	vld [tilespmem:$0x4430]  }
0x80: {  	v7 =	vld [tilespmem:$0x4630]  }
0x81: {  	v8 =	vld [tilespmem:$0x4440]  }
0x82: {  	v9 =	vld [tilespmem:$0x4640]  }
0x83: {  	v10 =	vld [tilespmem:$0x4450]  }
0x84: {  	v11 =	vld [tilespmem:$0x4650]  }
0x85: {  	v12 =	vld [tilespmem:$0x4460]  }
0x86: {  	v13 =	vld [tilespmem:$0x4660]  }
0x87: {  	v14 =	vld [tilespmem:$0x4470]  }
0x88: {  	v15 =	vld [tilespmem:$0x4670]  }
0x89: {  	v16 =	vld [tilespmem:$0x4480]  }
0x8a: {  	v17 =	vld [tilespmem:$0x4680]  }
0x8b: {  	v18 =	vld [tilespmem:$0x4490]  }
0x8c: {  	v19 =	vld [tilespmem:$0x4690]  }
0x8d: {  	v20 =	vld [tilespmem:$0x44A0]  }
0x8e: {  	v21 =	vld [tilespmem:$0x46A0]  }
0x8f: {  	v22 =	vld [tilespmem:$0x44B0]  }
0x90: {  	v23 =	vld [tilespmem:$0x46B0]  }
0x91: {  	v24 =	vld [tilespmem:$0x44C0]  }
0x92: {  	v25 =	vld [tilespmem:$0x46C0]  }
0x93: {  	v26 =	vld [tilespmem:$0x44D0]  }
0x94: {  	v27 =	vld [tilespmem:$0x46D0]  }
0x95: {  	v28 =	vld [tilespmem:$0x44E0]  }
0x96: {  	v29 =	vld [tilespmem:$0x46E0]  }
0x97: {  	v30 =	vld [tilespmem:$0x44F0]  }
0x98: {  	v31 =	vld [tilespmem:$0x46F0]  }
0x99: {  	v32 =	vld [tilespmem:$0x4500]  }
0x9a: {  	v33 =	vld [tilespmem:$0x4700]  }
0x9b: {  	v34 =	vld [tilespmem:$0x4510]  }
0x9c: {  	v35 =	vld [tilespmem:$0x4710]  }
0x9d: {  	v36 =	vld [tilespmem:$0x4520]  }
0x9e: {  	v46 =	vld [tilespmem:$0x4720];
	v0 =	vadd.f32 v44, v43  }
0x9f: {  	v47 =	vld [tilespmem:$0x4530];
	v2 =	vadd.f32 v3, v45  }
0xa0: {  	v49 =	vld [tilespmem:$0x4730];
	v48 =	vadd.f32 v5, v4;
	[tilespmem:$0x4810] =	vst v0  }
0xa1: {  	v51 =	vld [tilespmem:$0x4540];
	v50 =	vadd.f32 v7, v6;
	[tilespmem:$0x4820] =	vst v2  }
0xa2: {  	v53 =	vld [tilespmem:$0x4740];
	v52 =	vadd.f32 v9, v8;
	[tilespmem:$0x4830] =	vst v48  }
0xa3: {  	v55 =	vld [tilespmem:$0x4550];
	v54 =	vadd.f32 v11, v10;
	[tilespmem:$0x4840] =	vst v50  }
0xa4: {  	v57 =	vld [tilespmem:$0x4750];
	v56 =	vadd.f32 v13, v12;
	[tilespmem:$0x4850] =	vst v52  }
0xa5: {  	v59 =	vld [tilespmem:$0x4560];
	v58 =	vadd.f32 v15, v14;
	[tilespmem:$0x4860] =	vst v54  }
0xa6: {  	v61 =	vld [tilespmem:$0x4760];
	v60 =	vadd.f32 v17, v16;
	[tilespmem:$0x4870] =	vst v56  }
0xa7: {  	v63 =	vld [tilespmem:$0x4570];
	v62 =	vadd.f32 v19, v18;
	[tilespmem:$0x4880] =	vst v58  }
0xa8: {  	v37 =	vld [tilespmem:$0x45A0];
	v20 =	vadd.f32 v21, v20;
	[tilespmem:$0x4890] =	vst v60  }
0xa9: {  	v39 =	vld [tilespmem:$0x47A0];
	v22 =	vadd.f32 v23, v22;
	[tilespmem:$0x48A0] =	vst v62  }
0xaa: {  	v41 =	vld [tilespmem:$0x45B0];
	v24 =	vadd.f32 v25, v24;
	[tilespmem:$0x48B0] =	vst v20  }
0xab: {  	v21 =	vld [tilespmem:$0x4770];
	v26 =	vadd.f32 v27, v26;
	[tilespmem:$0x48C0] =	vst v22  }
0xac: {  	v23 =	vld [tilespmem:$0x4580];
	v28 =	vadd.f32 v29, v28;
	[tilespmem:$0x48D0] =	vst v24  }
0xad: {  	v25 =	vld [tilespmem:$0x4780];
	v31 =	vadd.f32 v31, v30;
	[tilespmem:$0x48E0] =	vst v26  }
0xae: {  	v27 =	vld [tilespmem:$0x4590];
	v38 =	vadd.f32 v33, v32;
	[tilespmem:$0x48F0] =	vst v28  }
0xaf: {  	v29 =	vld [tilespmem:$0x4790];
	v40 =	vadd.f32 v35, v34;
	[tilespmem:$0x4900] =	vst v31  }
0xb0: {  	v42 =	vadd.f32 v46, v36;
	v43 =	vld [tilespmem:$0x47B0];
	[tilespmem:$0x4910] =	vst v38  }
0xb1: {  	v44 =	vadd.f32 v49, v47;
	v45 =	vld [tilespmem:$0x45C0];
	[tilespmem:$0x4920] =	vst v40  }
0xb2: {  	v46 =	vadd.f32 v53, v51;
	v47 =	vld [tilespmem:$0x47C0];
	[tilespmem:$0x4930] =	vst v42  }
0xb3: {  	v49 =	vld [tilespmem:$0x45D0];
	[tilespmem:$0x4940] =	vst v44;
	v48 =	vadd.f32 v57, v55  }
0xb4: {  	v51 =	vld [tilespmem:$0x47D0];
	[tilespmem:$0x4950] =	vst v46;
	v50 =	vadd.f32 v61, v59  }
0xb5: {  	v53 =	vld [tilespmem:$0x45E0];
	v58 =	vadd.f32 v39, v37;
	[tilespmem:$0x4960] =	vst v48  }
0xb6: {  	v55 =	vld [tilespmem:$0x47E0];
	[tilespmem:$0x4970] =	vst v50;
	v52 =	vadd.f32 v21, v63  }
0xb7: {  	v57 =	vld [tilespmem:$0x45F0];
	[tilespmem:$0x49B0] =	vst v58;
	v54 =	vadd.f32 v25, v23  }
0xb8: {  	v59 =	vld [tilespmem:$0x47F0];
	v56 =	vadd.f32 v29, v27;
	[tilespmem:$0x4980] =	vst v52  }
0xb9: {  	v1 =	vadd.f32 v43, v41;
	[tilespmem:$0x4990] =	vst v54  }
0xba: {  	v60 =	vadd.f32 v47, v45;
	[tilespmem:$0x49A0] =	vst v56  }
0xbb: {  	v61 =	vadd.f32 v51, v49;
	[tilespmem:$0x49C0] =	vst v1  }
0xbc: {  	[tilespmem:$0x49D0] =	vst v60;
	v62 =	vadd.f32 v55, v53  }
0xbd: {  	s22 =	sadd.s32 $0x1, s22;
	[tilespmem:$0x49E0] =	vst v61;
	v63 =	vadd.f32 v59, v57  }
0xbe: {  	p0 =	sne.s32 s22, s11;
	[tilespmem:$0x49F0] =	vst v62  }
.Ltmp1:
0xbf: {  	[tilespmem:$0x4A00] =	vst v63;
	(pc) =	sbr.rel @p0 .LBB2_1-.Ltmp1, $4  }
0xc0: {  	[hbm4b:s10+s1] =	stream.linear.scatter [tilespmem:s21], [sflag:$0x2], $0x200, $0x38;
	[tilespmem:$0x4A10] =	vst v63  }
0xc1: {  	_ =	swait.ge [sflag:s12], $0x200  }
0xc2: {  	[sflag:s12] =	ssyncset.done $0x0  }
0xc3: {  	[sflag:s12] =	ssyncadd.s32 $0xFFFFFE00  }
0xc4: {  	_ =	sfence.sel $0x180000  }
0xc5: {  	[bflag:$0x0] =	sbarrier.arrive $0xFFFF  }
0xc6: {  	_ =	strace $0x90000047  }
0xc7: {  	s0 =	stileid.u32;
	[bflag:$0x2] =	sbarrier.arrive $0xFFFF  }
0xc8: {  	p0 =	sne.s32 s0, $0x0;
	s0 =	rddreg [dreg:$0x2]  }
0xc9: {  	s0 =	sadd.s32 @!p0 $0x100000, s0  }
0xca: {  	[sflag:s0] =	ssyncadd.tile.s32 @!p0 $0x1;
	_ =	shalt  }
.Lfunc_end2:
_tile_overlayer_lowered:
.L_overlay_start_2:
0xcb: {  	(tag) =	ssettag $0x2  }
0xcc: {  	s0 =	rddreg [dreg:$0x0];
	s2 =	stileid.u32  }
0xcd: {  	s1 =	rddreg [dreg:$0x1];
	p0 =	sne.s32 s2, $0x0  }
0xce: {  	s3 =	rddreg [dreg:$0x2];
	[bflag:$0x3] =	sbarrier.arrive $0xFFFF;
	s2 =	simm.s32 @!p0 $0x1C02  }
0xcf: {  	[timem:s3], [sflag:s2] =	dma.local @!p0 [hbm:s0], s1  }
0xd0: {  	s0 =	simm.s32 @!p0 $0x2  }
0xd1: {  	_ =	swait.ge @!p0 [sflag:s0], s1  }
0xd2: {  	s1 =	ssub.s32 @!p0 $0x0, s1;
	[sflag:s0] =	ssyncset.done @!p0 $0x0  }
0xd3: {  	[sflag:s0] =	ssyncadd.s32 @!p0 s1  }
0xd4: {  	[bflag:$0x3] =	sbarrier.arrive $0xFFFF  }
0xd5: {  	_ =	shalt  }

</sc_bundles>
